<compile_context>
chip_gen: v7x
topology: tpu7x:2x2x1
jax: 0.10.2.dev20260603
libtpu: 0.0.44.dev20260713+nightly
codegen_flags: <defaults>
</compile_context>

<pallas_src>
import functools

import jax
import jax.numpy as jnp
from jax import lax
from jax.experimental import pallas as pl
from jax.experimental.pallas import tpu as pltpu
from jax.experimental.pallas import tpu_sc as plsc

NB = 1000000
D = 32
B = 16384
NC = 2
NS = 16
NW = NC * NS
BPW = B // NW
CHUNK = 128
NCH = BPW // CHUNK
L = 16


def _body(ii_hbm, jj_hbm, te_hbm, ce_hbm, tb_hbm, cb_hbm, out_hbm,
          ii_v, jj_v, a_v, b_v, tb_v, cb_v, out_v, sem):
    wid = lax.axis_index("s") * NC + lax.axis_index("c")
    base = wid * BPW

    for c in range(NCH):
        pltpu.sync_copy(ii_hbm.at[wid * NCH + c], ii_v.at[c])
        pltpu.sync_copy(jj_hbm.at[wid * NCH + c], jj_v.at[c])

    handles = []
    for c in range(NCH):
        sl = pl.ds(c * CHUNK, CHUNK)
        handles.append(pltpu.async_copy(te_hbm.at[ii_v.at[c]], a_v.at[sl], sem))
        handles.append(pltpu.async_copy(ce_hbm.at[jj_v.at[c]], b_v.at[sl], sem))
        handles.append(pltpu.async_copy(tb_hbm.at[ii_v.at[c]], tb_v.at[sl], sem))
        handles.append(pltpu.async_copy(cb_hbm.at[jj_v.at[c]], cb_v.at[sl], sem))
    for h in handles:
        h.wait()

    iota = lax.iota(jnp.int32, L)

    def g_body(g, carry):
        rows = g * L + iota
        acc = tb_v[pl.ds(g * L, L)] + cb_v[pl.ds(g * L, L)]
        for d in range(D):
            dcol = jnp.full((L,), d, jnp.int32)
            va = plsc.load_gather(a_v, [rows, dcol])
            vb = plsc.load_gather(b_v, [rows, dcol])
            acc = acc + va * vb
        out_v[pl.ds(g * L, L)] = acc
        return carry

    lax.fori_loop(0, BPW // L, g_body, 0)

    pltpu.sync_copy(out_v, out_hbm.at[pl.ds(base, BPW)])


@functools.partial(jax.jit, static_argnames=())
def _run(ii, jj, te, ce, tb, cb):
    mesh = plsc.VectorSubcoreMesh(core_axis_name="c", subcore_axis_name="s")
    k = functools.partial(
        pl.kernel,
        mesh=mesh,
        compiler_params=pltpu.CompilerParams(
            needs_layout_passes=False, use_tc_tiling_on_sc=False),
        out_type=jax.ShapeDtypeStruct((B,), jnp.float32),
        scratch_types=[
            pltpu.VMEM((NCH, CHUNK), jnp.int32),
            pltpu.VMEM((NCH, CHUNK), jnp.int32),
            pltpu.VMEM((BPW, D), jnp.float32),
            pltpu.VMEM((BPW, D), jnp.float32),
            pltpu.VMEM((BPW,), jnp.float32),
            pltpu.VMEM((BPW,), jnp.float32),
            pltpu.VMEM((BPW,), jnp.float32),
            pltpu.SemaphoreType.DMA,
        ],
    )(_body)
    return k(ii, jj, te, ce, tb, cb)


def kernel(pair, target_emb, context_emb, target_bias, context_bias):
    ii = pair[:, 0].astype(jnp.int32).reshape(B // CHUNK, CHUNK)
    jj = pair[:, 1].astype(jnp.int32).reshape(B // CHUNK, CHUNK)
    tb = target_bias.reshape(-1)
    cb = context_bias.reshape(-1)
    out = _run(ii, jj, target_emb, context_emb, tb, cb)
    return out.reshape(B, 1)

# --- scband reference (transcript-rebuilt; emitter-appended) ---
"""Pipeline reference for scband-basic-model-38019050504898 (READ-ONLY COPY).

The authoritative reference and input builder live on the scoring server;
editing this copy changes nothing except your own understanding.
"""

import jax, jax.numpy as jnp
import numpy as np

NB_EMBEDDINGS = 1000000
EMBEDDINGS_DIM = 32
BATCH = 16384


def setup_inputs(seed: int = 0) -> dict:
    key = jax.random.key(seed)
    k1, k2, k3, k4, k5 = jax.random.split(key, 5)
    pair = jax.random.randint(k1, (BATCH, 2), 0, NB_EMBEDDINGS, dtype=jnp.int64 if jax.config.jax_enable_x64 else jnp.int32)
    target_emb = jax.random.normal(k2, (NB_EMBEDDINGS, EMBEDDINGS_DIM), dtype=jnp.float32) * 0.05
    context_emb = jax.random.normal(k3, (NB_EMBEDDINGS, EMBEDDINGS_DIM), dtype=jnp.float32) * 0.05
    target_bias = jax.random.normal(k4, (NB_EMBEDDINGS, 1), dtype=jnp.float32) * 0.05
    context_bias = jax.random.normal(k5, (NB_EMBEDDINGS, 1), dtype=jnp.float32) * 0.05
    return {
        "pair": pair,
        "target_emb": target_emb,
        "context_emb": context_emb,
        "target_bias": target_bias,
        "context_bias": context_bias,
    }


def reference(pair, target_emb, context_emb, target_bias, context_bias):
    # Faithful translation of BasicModel.call with training=False (dropout is identity).
    i = pair[:, 0]
    j = pair[:, 1]
    i_embedding = jnp.take(target_emb, i, axis=0)      # (B, D) gather
    j_embedding = jnp.take(context_emb, j, axis=0)     # (B, D) gather
    sim = jnp.einsum('bd,bd->b', i_embedding, j_embedding)
    sim = jnp.expand_dims(sim, axis=1)                 # (B, 1)
    sim = sim + jnp.take(target_bias, i, axis=0) + jnp.take(context_bias, j, axis=0)
    return sim

if __name__ == "__main__":
    import jax
    _d = setup_inputs()
    print(jax.jit(kernel)(*tuple(_d.values())))

</pallas_src>

<mosaic_0001>
#map = affine_map<(d0, d1) -> (0, 0)>
#map1 = affine_map<(d0, d1) -> (0)>
module attributes {stable_mosaic.version = 14 : i64} {
  func.func @_body(%arg0: i32, %arg1: i32, %arg2: memref<128x128xi32, #tpu.memory_space<hbm>>, %arg3: memref<128x128xi32, #tpu.memory_space<hbm>>, %arg4: memref<1000000x32xf32, #tpu.memory_space<hbm>>, %arg5: memref<1000000x32xf32, #tpu.memory_space<hbm>>, %arg6: memref<1000000xf32, #tpu.memory_space<hbm>>, %arg7: memref<1000000xf32, #tpu.memory_space<hbm>>, %arg8: memref<16384xf32, #tpu.memory_space<hbm>>, %arg9: memref<4x128xi32, #tpu.memory_space<vmem>>, %arg10: memref<4x128xi32, #tpu.memory_space<vmem>>, %arg11: memref<512x32xf32, #tpu.memory_space<vmem>>, %arg12: memref<512x32xf32, #tpu.memory_space<vmem>>, %arg13: memref<512xf32, #tpu.memory_space<vmem>>, %arg14: memref<512xf32, #tpu.memory_space<vmem>>, %arg15: memref<512xf32, #tpu.memory_space<vmem>>, %arg16: memref<!tpu.dma_semaphore, #tpu.memory_space<semaphore_mem>>) attributes {dimension_semantics = [#tpu.dimension_semantics<core_parallel>, #tpu.dimension_semantics<subcore_parallel>], iteration_bounds = array<i64: 2, 16>, scalar_prefetch = 0 : i64, scratch_operands = 8 : i64, tpu.core_type = #tpu.core_type<sc_vector_subcore>, window_params = [{transform_indices = #map}, {transform_indices = #map}, {transform_indices = #map}, {transform_indices = #map}, {transform_indices = #map1}, {transform_indices = #map1}, {transform_indices = #map1}]} {
    %mul3A = arith.constant 2 : i32
    %mul3A_0 = arith.muli %arg1, %mul3A : i32
    %add3A = arith.addi %mul3A_0, %arg0 : i32
    %mul3A_1 = arith.constant 512 : i32
    %mul3A_2 = arith.muli %add3A, %mul3A_1 : i32
    %mul3A_3 = arith.constant 4 : i32
    %mul3A_4 = arith.muli %add3A, %mul3A_3 : i32
    %add3A_5 = arith.constant 0 : i32
    %add3A_6 = arith.addi %mul3A_4, %add3A_5 : i32
    %run_scoped3A = arith.constant 0 : i32
    "tpu.region"() ({
      %run_scoped3A_333 = tpu.sem_alloc : memref<!tpu.dma_semaphore, #tpu.memory_space<semaphore_mem>>
      %dma_start3A_334 = arith.constant 0 : i32
      %dma_start3A_335 = tpu.memref_slice %arg9[%run_scoped3A, %dma_start3A_334] : memref<4x128xi32, #tpu.memory_space<vmem>> -> memref<1x128xi32, #tpu.memory_space<vmem>>
      %dma_start3A_336 = tpu.memref_squeeze %dma_start3A_335 : memref<1x128xi32, #tpu.memory_space<vmem>> -> memref<128xi32, #tpu.memory_space<vmem>>
      %dma_start3A_337 = arith.constant 0 : i32
      %dma_start3A_338 = tpu.memref_slice %arg2[%add3A_6, %dma_start3A_337] : memref<128x128xi32, #tpu.memory_space<hbm>> -> memref<1x128xi32, #tpu.memory_space<hbm>>
      %dma_start3A_339 = tpu.memref_squeeze %dma_start3A_338 : memref<1x128xi32, #tpu.memory_space<hbm>> -> memref<128xi32, #tpu.memory_space<hbm>>
      %dma_start3A_340 = arith.constant 0 : i32
      %dma_start3A_341 = tpu.memref_slice %arg9[%run_scoped3A, %dma_start3A_340] : memref<4x128xi32, #tpu.memory_space<vmem>> -> memref<1x128xi32, #tpu.memory_space<vmem>>
      %dma_start3A_342 = tpu.memref_squeeze %dma_start3A_341 : memref<1x128xi32, #tpu.memory_space<vmem>> -> memref<128xi32, #tpu.memory_space<vmem>>
      %dma_start3A_343 = arith.constant 0 : i32
      %dma_start3A_344 = tpu.memref_slice %arg2[%add3A_6, %dma_start3A_343] : memref<128x128xi32, #tpu.memory_space<hbm>> -> memref<1x128xi32, #tpu.memory_space<hbm>>
      %dma_start3A_345 = tpu.memref_squeeze %dma_start3A_344 : memref<1x128xi32, #tpu.memory_space<hbm>> -> memref<128xi32, #tpu.memory_space<hbm>>
      tpu.enqueue_dma source(%dma_start3A_345 : memref<128xi32, #tpu.memory_space<hbm>>) target(%dma_start3A_342 : memref<128xi32, #tpu.memory_space<vmem>>) target_semaphore(%run_scoped3A_333 : memref<!tpu.dma_semaphore, #tpu.memory_space<semaphore_mem>>)
      %dma_wait3A_346 = arith.constant 0 : i32
      %dma_wait3A_347 = tpu.memref_slice %arg9[%run_scoped3A, %dma_wait3A_346] : memref<4x128xi32, #tpu.memory_space<vmem>> -> memref<1x128xi32, #tpu.memory_space<vmem>>
      %dma_wait3A_348 = tpu.memref_squeeze %dma_wait3A_347 : memref<1x128xi32, #tpu.memory_space<vmem>> -> memref<128xi32, #tpu.memory_space<vmem>>
      %dma_wait3A_349 = arith.constant 0 : i32
      %dma_wait3A_350 = tpu.memref_slice %arg2[%add3A_6, %dma_wait3A_349] : memref<128x128xi32, #tpu.memory_space<hbm>> -> memref<1x128xi32, #tpu.memory_space<hbm>>
      %dma_wait3A_351 = tpu.memref_squeeze %dma_wait3A_350 : memref<1x128xi32, #tpu.memory_space<hbm>> -> memref<128xi32, #tpu.memory_space<hbm>>
      %dma_wait3A_352 = arith.constant 0 : i32
      %dma_wait3A_353 = tpu.memref_slice %arg9[%run_scoped3A, %dma_wait3A_352] : memref<4x128xi32, #tpu.memory_space<vmem>> -> memref<1x128xi32, #tpu.memory_space<vmem>>
      %dma_wait3A_354 = tpu.memref_squeeze %dma_wait3A_353 : memref<1x128xi32, #tpu.memory_space<vmem>> -> memref<128xi32, #tpu.memory_space<vmem>>
      %dma_wait3A_355 = arith.constant 0 : i32
      %dma_wait3A_356 = tpu.memref_slice %arg2[%add3A_6, %dma_wait3A_355] : memref<128x128xi32, #tpu.memory_space<hbm>> -> memref<1x128xi32, #tpu.memory_space<hbm>>
      %dma_wait3A_357 = tpu.memref_squeeze %dma_wait3A_356 : memref<1x128xi32, #tpu.memory_space<hbm>> -> memref<128xi32, #tpu.memory_space<hbm>>
      tpu.wait_dma2 semaphore(%run_scoped3A_333 : memref<!tpu.dma_semaphore, #tpu.memory_space<semaphore_mem>>) src(%dma_wait3A_357 : memref<128xi32, #tpu.memory_space<hbm>>) dst(%dma_wait3A_354 : memref<128xi32, #tpu.memory_space<vmem>>)
      tpu.yield
    }) : () -> ()
    %mul3A_7 = arith.constant 4 : i32
    %mul3A_8 = arith.muli %add3A, %mul3A_7 : i32
    %add3A_9 = arith.constant 0 : i32
    %add3A_10 = arith.addi %mul3A_8, %add3A_9 : i32
    %run_scoped3A_11 = arith.constant 0 : i32
    "tpu.region"() ({
      %run_scoped3A_333 = tpu.sem_alloc : memref<!tpu.dma_semaphore, #tpu.memory_space<semaphore_mem>>
      %dma_start3A_334 = arith.constant 0 : i32
      %dma_start3A_335 = tpu.memref_slice %arg10[%run_scoped3A_11, %dma_start3A_334] : memref<4x128xi32, #tpu.memory_space<vmem>> -> memref<1x128xi32, #tpu.memory_space<vmem>>
      %dma_start3A_336 = tpu.memref_squeeze %dma_start3A_335 : memref<1x128xi32, #tpu.memory_space<vmem>> -> memref<128xi32, #tpu.memory_space<vmem>>
      %dma_start3A_337 = arith.constant 0 : i32
      %dma_start3A_338 = tpu.memref_slice %arg3[%add3A_10, %dma_start3A_337] : memref<128x128xi32, #tpu.memory_space<hbm>> -> memref<1x128xi32, #tpu.memory_space<hbm>>
      %dma_start3A_339 = tpu.memref_squeeze %dma_start3A_338 : memref<1x128xi32, #tpu.memory_space<hbm>> -> memref<128xi32, #tpu.memory_space<hbm>>
      %dma_start3A_340 = arith.constant 0 : i32
      %dma_start3A_341 = tpu.memref_slice %arg10[%run_scoped3A_11, %dma_start3A_340] : memref<4x128xi32, #tpu.memory_space<vmem>> -> memref<1x128xi32, #tpu.memory_space<vmem>>
      %dma_start3A_342 = tpu.memref_squeeze %dma_start3A_341 : memref<1x128xi32, #tpu.memory_space<vmem>> -> memref<128xi32, #tpu.memory_space<vmem>>
      %dma_start3A_343 = arith.constant 0 : i32
      %dma_start3A_344 = tpu.memref_slice %arg3[%add3A_10, %dma_start3A_343] : memref<128x128xi32, #tpu.memory_space<hbm>> -> memref<1x128xi32, #tpu.memory_space<hbm>>
      %dma_start3A_345 = tpu.memref_squeeze %dma_start3A_344 : memref<1x128xi32, #tpu.memory_space<hbm>> -> memref<128xi32, #tpu.memory_space<hbm>>
      tpu.enqueue_dma source(%dma_start3A_345 : memref<128xi32, #tpu.memory_space<hbm>>) target(%dma_start3A_342 : memref<128xi32, #tpu.memory_space<vmem>>) target_semaphore(%run_scoped3A_333 : memref<!tpu.dma_semaphore, #tpu.memory_space<semaphore_mem>>)
      %dma_wait3A_346 = arith.constant 0 : i32
      %dma_wait3A_347 = tpu.memref_slice %arg10[%run_scoped3A_11, %dma_wait3A_346] : memref<4x128xi32, #tpu.memory_space<vmem>> -> memref<1x128xi32, #tpu.memory_space<vmem>>
      %dma_wait3A_348 = tpu.memref_squeeze %dma_wait3A_347 : memref<1x128xi32, #tpu.memory_space<vmem>> -> memref<128xi32, #tpu.memory_space<vmem>>
      %dma_wait3A_349 = arith.constant 0 : i32
      %dma_wait3A_350 = tpu.memref_slice %arg3[%add3A_10, %dma_wait3A_349] : memref<128x128xi32, #tpu.memory_space<hbm>> -> memref<1x128xi32, #tpu.memory_space<hbm>>
      %dma_wait3A_351 = tpu.memref_squeeze %dma_wait3A_350 : memref<1x128xi32, #tpu.memory_space<hbm>> -> memref<128xi32, #tpu.memory_space<hbm>>
      %dma_wait3A_352 = arith.constant 0 : i32
      %dma_wait3A_353 = tpu.memref_slice %arg10[%run_scoped3A_11, %dma_wait3A_352] : memref<4x128xi32, #tpu.memory_space<vmem>> -> memref<1x128xi32, #tpu.memory_space<vmem>>
      %dma_wait3A_354 = tpu.memref_squeeze %dma_wait3A_353 : memref<1x128xi32, #tpu.memory_space<vmem>> -> memref<128xi32, #tpu.memory_space<vmem>>
      %dma_wait3A_355 = arith.constant 0 : i32
      %dma_wait3A_356 = tpu.memref_slice %arg3[%add3A_10, %dma_wait3A_355] : memref<128x128xi32, #tpu.memory_space<hbm>> -> memref<1x128xi32, #tpu.memory_space<hbm>>
      %dma_wait3A_357 = tpu.memref_squeeze %dma_wait3A_356 : memref<1x128xi32, #tpu.memory_space<hbm>> -> memref<128xi32, #tpu.memory_space<hbm>>
      tpu.wait_dma2 semaphore(%run_scoped3A_333 : memref<!tpu.dma_semaphore, #tpu.memory_space<semaphore_mem>>) src(%dma_wait3A_357 : memref<128xi32, #tpu.memory_space<hbm>>) dst(%dma_wait3A_354 : memref<128xi32, #tpu.memory_space<vmem>>)
      tpu.yield
    }) : () -> ()
    %mul3A_12 = arith.constant 4 : i32
    %mul3A_13 = arith.muli %add3A, %mul3A_12 : i32
    %add3A_14 = arith.constant 1 : i32
    %add3A_15 = arith.addi %mul3A_13, %add3A_14 : i32
    %run_scoped3A_16 = arith.constant 1 : i32
    "tpu.region"() ({
      %run_scoped3A_333 = tpu.sem_alloc : memref<!tpu.dma_semaphore, #tpu.memory_space<semaphore_mem>>
      %dma_start3A_334 = arith.constant 0 : i32
      %dma_start3A_335 = tpu.memref_slice %arg9[%run_scoped3A_16, %dma_start3A_334] : memref<4x128xi32, #tpu.memory_space<vmem>> -> memref<1x128xi32, #tpu.memory_space<vmem>>
      %dma_start3A_336 = tpu.memref_squeeze %dma_start3A_335 : memref<1x128xi32, #tpu.memory_space<vmem>> -> memref<128xi32, #tpu.memory_space<vmem>>
      %dma_start3A_337 = arith.constant 0 : i32
      %dma_start3A_338 = tpu.memref_slice %arg2[%add3A_15, %dma_start3A_337] : memref<128x128xi32, #tpu.memory_space<hbm>> -> memref<1x128xi32, #tpu.memory_space<hbm>>
      %dma_start3A_339 = tpu.memref_squeeze %dma_start3A_338 : memref<1x128xi32, #tpu.memory_space<hbm>> -> memref<128xi32, #tpu.memory_space<hbm>>
      %dma_start3A_340 = arith.constant 0 : i32
      %dma_start3A_341 = tpu.memref_slice %arg9[%run_scoped3A_16, %dma_start3A_340] : memref<4x128xi32, #tpu.memory_space<vmem>> -> memref<1x128xi32, #tpu.memory_space<vmem>>
      %dma_start3A_342 = tpu.memref_squeeze %dma_start3A_341 : memref<1x128xi32, #tpu.memory_space<vmem>> -> memref<128xi32, #tpu.memory_space<vmem>>
      %dma_start3A_343 = arith.constant 0 : i32
      %dma_start3A_344 = tpu.memref_slice %arg2[%add3A_15, %dma_start3A_343] : memref<128x128xi32, #tpu.memory_space<hbm>> -> memref<1x128xi32, #tpu.memory_space<hbm>>
      %dma_start3A_345 = tpu.memref_squeeze %dma_start3A_344 : memref<1x128xi32, #tpu.memory_space<hbm>> -> memref<128xi32, #tpu.memory_space<hbm>>
      tpu.enqueue_dma source(%dma_start3A_345 : memref<128xi32, #tpu.memory_space<hbm>>) target(%dma_start3A_342 : memref<128xi32, #tpu.memory_space<vmem>>) target_semaphore(%run_scoped3A_333 : memref<!tpu.dma_semaphore, #tpu.memory_space<semaphore_mem>>)
      %dma_wait3A_346 = arith.constant 0 : i32
      %dma_wait3A_347 = tpu.memref_slice %arg9[%run_scoped3A_16, %dma_wait3A_346] : memref<4x128xi32, #tpu.memory_space<vmem>> -> memref<1x128xi32, #tpu.memory_space<vmem>>
      %dma_wait3A_348 = tpu.memref_squeeze %dma_wait3A_347 : memref<1x128xi32, #tpu.memory_space<vmem>> -> memref<128xi32, #tpu.memory_space<vmem>>
      %dma_wait3A_349 = arith.constant 0 : i32
      %dma_wait3A_350 = tpu.memref_slice %arg2[%add3A_15, %dma_wait3A_349] : memref<128x128xi32, #tpu.memory_space<hbm>> -> memref<1x128xi32, #tpu.memory_space<hbm>>
      %dma_wait3A_351 = tpu.memref_squeeze %dma_wait3A_350 : memref<1x128xi32, #tpu.memory_space<hbm>> -> memref<128xi32, #tpu.memory_space<hbm>>
      %dma_wait3A_352 = arith.constant 0 : i32
      %dma_wait3A_353 = tpu.memref_slice %arg9[%run_scoped3A_16, %dma_wait3A_352] : memref<4x128xi32, #tpu.memory_space<vmem>> -> memref<1x128xi32, #tpu.memory_space<vmem>>
      %dma_wait3A_354 = tpu.memref_squeeze %dma_wait3A_353 : memref<1x128xi32, #tpu.memory_space<vmem>> -> memref<128xi32, #tpu.memory_space<vmem>>
      %dma_wait3A_355 = arith.constant 0 : i32
      %dma_wait3A_356 = tpu.memref_slice %arg2[%add3A_15, %dma_wait3A_355] : memref<128x128xi32, #tpu.memory_space<hbm>> -> memref<1x128xi32, #tpu.memory_space<hbm>>
      %dma_wait3A_357 = tpu.memref_squeeze %dma_wait3A_356 : memref<1x128xi32, #tpu.memory_space<hbm>> -> memref<128xi32, #tpu.memory_space<hbm>>
      tpu.wait_dma2 semaphore(%run_scoped3A_333 : memref<!tpu.dma_semaphore, #tpu.memory_space<semaphore_mem>>) src(%dma_wait3A_357 : memref<128xi32, #tpu.memory_space<hbm>>) dst(%dma_wait3A_354 : memref<128xi32, #tpu.memory_space<vmem>>)
      tpu.yield
    }) : () -> ()
    %mul3A_17 = arith.constant 4 : i32
    %mul3A_18 = arith.muli %add3A, %mul3A_17 : i32
    %add3A_19 = arith.constant 1 : i32
    %add3A_20 = arith.addi %mul3A_18, %add3A_19 : i32
    %run_scoped3A_21 = arith.constant 1 : i32
    "tpu.region"() ({
      %run_scoped3A_333 = tpu.sem_alloc : memref<!tpu.dma_semaphore, #tpu.memory_space<semaphore_mem>>
      %dma_start3A_334 = arith.constant 0 : i32
      %dma_start3A_335 = tpu.memref_slice %arg10[%run_scoped3A_21, %dma_start3A_334] : memref<4x128xi32, #tpu.memory_space<vmem>> -> memref<1x128xi32, #tpu.memory_space<vmem>>
      %dma_start3A_336 = tpu.memref_squeeze %dma_start3A_335 : memref<1x128xi32, #tpu.memory_space<vmem>> -> memref<128xi32, #tpu.memory_space<vmem>>
      %dma_start3A_337 = arith.constant 0 : i32
      %dma_start3A_338 = tpu.memref_slice %arg3[%add3A_20, %dma_start3A_337] : memref<128x128xi32, #tpu.memory_space<hbm>> -> memref<1x128xi32, #tpu.memory_space<hbm>>
      %dma_start3A_339 = tpu.memref_squeeze %dma_start3A_338 : memref<1x128xi32, #tpu.memory_space<hbm>> -> memref<128xi32, #tpu.memory_space<hbm>>
      %dma_start3A_340 = arith.constant 0 : i32
      %dma_start3A_341 = tpu.memref_slice %arg10[%run_scoped3A_21, %dma_start3A_340] : memref<4x128xi32, #tpu.memory_space<vmem>> -> memref<1x128xi32, #tpu.memory_space<vmem>>
      %dma_start3A_342 = tpu.memref_squeeze %dma_start3A_341 : memref<1x128xi32, #tpu.memory_space<vmem>> -> memref<128xi32, #tpu.memory_space<vmem>>
      %dma_start3A_343 = arith.constant 0 : i32
      %dma_start3A_344 = tpu.memref_slice %arg3[%add3A_20, %dma_start3A_343] : memref<128x128xi32, #tpu.memory_space<hbm>> -> memref<1x128xi32, #tpu.memory_space<hbm>>
      %dma_start3A_345 = tpu.memref_squeeze %dma_start3A_344 : memref<1x128xi32, #tpu.memory_space<hbm>> -> memref<128xi32, #tpu.memory_space<hbm>>
      tpu.enqueue_dma source(%dma_start3A_345 : memref<128xi32, #tpu.memory_space<hbm>>) target(%dma_start3A_342 : memref<128xi32, #tpu.memory_space<vmem>>) target_semaphore(%run_scoped3A_333 : memref<!tpu.dma_semaphore, #tpu.memory_space<semaphore_mem>>)
      %dma_wait3A_346 = arith.constant 0 : i32
      %dma_wait3A_347 = tpu.memref_slice %arg10[%run_scoped3A_21, %dma_wait3A_346] : memref<4x128xi32, #tpu.memory_space<vmem>> -> memref<1x128xi32, #tpu.memory_space<vmem>>
      %dma_wait3A_348 = tpu.memref_squeeze %dma_wait3A_347 : memref<1x128xi32, #tpu.memory_space<vmem>> -> memref<128xi32, #tpu.memory_space<vmem>>
      %dma_wait3A_349 = arith.constant 0 : i32
      %dma_wait3A_350 = tpu.memref_slice %arg3[%add3A_20, %dma_wait3A_349] : memref<128x128xi32, #tpu.memory_space<hbm>> -> memref<1x128xi32, #tpu.memory_space<hbm>>
      %dma_wait3A_351 = tpu.memref_squeeze %dma_wait3A_350 : memref<1x128xi32, #tpu.memory_space<hbm>> -> memref<128xi32, #tpu.memory_space<hbm>>
      %dma_wait3A_352 = arith.constant 0 : i32
      %dma_wait3A_353 = tpu.memref_slice %arg10[%run_scoped3A_21, %dma_wait3A_352] : memref<4x128xi32, #tpu.memory_space<vmem>> -> memref<1x128xi32, #tpu.memory_space<vmem>>
      %dma_wait3A_354 = tpu.memref_squeeze %dma_wait3A_353 : memref<1x128xi32, #tpu.memory_space<vmem>> -> memref<128xi32, #tpu.memory_space<vmem>>
      %dma_wait3A_355 = arith.constant 0 : i32
      %dma_wait3A_356 = tpu.memref_slice %arg3[%add3A_20, %dma_wait3A_355] : memref<128x128xi32, #tpu.memory_space<hbm>> -> memref<1x128xi32, #tpu.memory_space<hbm>>
      %dma_wait3A_357 = tpu.memref_squeeze %dma_wait3A_356 : memref<1x128xi32, #tpu.memory_space<hbm>> -> memref<128xi32, #tpu.memory_space<hbm>>
      tpu.wait_dma2 semaphore(%run_scoped3A_333 : memref<!tpu.dma_semaphore, #tpu.memory_space<semaphore_mem>>) src(%dma_wait3A_357 : memref<128xi32, #tpu.memory_space<hbm>>) dst(%dma_wait3A_354 : memref<128xi32, #tpu.memory_space<vmem>>)
      tpu.yield
    }) : () -> ()
    %mul3A_22 = arith.constant 4 : i32
    %mul3A_23 = arith.muli %add3A, %mul3A_22 : i32
    %add3A_24 = arith.constant 2 : i32
    %add3A_25 = arith.addi %mul3A_23, %add3A_24 : i32
    %run_scoped3A_26 = arith.constant 2 : i32
    "tpu.region"() ({
      %run_scoped3A_333 = tpu.sem_alloc : memref<!tpu.dma_semaphore, #tpu.memory_space<semaphore_mem>>
      %dma_start3A_334 = arith.constant 0 : i32
      %dma_start3A_335 = tpu.memref_slice %arg9[%run_scoped3A_26, %dma_start3A_334] : memref<4x128xi32, #tpu.memory_space<vmem>> -> memref<1x128xi32, #tpu.memory_space<vmem>>
      %dma_start3A_336 = tpu.memref_squeeze %dma_start3A_335 : memref<1x128xi32, #tpu.memory_space<vmem>> -> memref<128xi32, #tpu.memory_space<vmem>>
      %dma_start3A_337 = arith.constant 0 : i32
      %dma_start3A_338 = tpu.memref_slice %arg2[%add3A_25, %dma_start3A_337] : memref<128x128xi32, #tpu.memory_space<hbm>> -> memref<1x128xi32, #tpu.memory_space<hbm>>
      %dma_start3A_339 = tpu.memref_squeeze %dma_start3A_338 : memref<1x128xi32, #tpu.memory_space<hbm>> -> memref<128xi32, #tpu.memory_space<hbm>>
      %dma_start3A_340 = arith.constant 0 : i32
      %dma_start3A_341 = tpu.memref_slice %arg9[%run_scoped3A_26, %dma_start3A_340] : memref<4x128xi32, #tpu.memory_space<vmem>> -> memref<1x128xi32, #tpu.memory_space<vmem>>
      %dma_start3A_342 = tpu.memref_squeeze %dma_start3A_341 : memref<1x128xi32, #tpu.memory_space<vmem>> -> memref<128xi32, #tpu.memory_space<vmem>>
      %dma_start3A_343 = arith.constant 0 : i32
      %dma_start3A_344 = tpu.memref_slice %arg2[%add3A_25, %dma_start3A_343] : memref<128x128xi32, #tpu.memory_space<hbm>> -> memref<1x128xi32, #tpu.memory_space<hbm>>
      %dma_start3A_345 = tpu.memref_squeeze %dma_start3A_344 : memref<1x128xi32, #tpu.memory_space<hbm>> -> memref<128xi32, #tpu.memory_space<hbm>>
      tpu.enqueue_dma source(%dma_start3A_345 : memref<128xi32, #tpu.memory_space<hbm>>) target(%dma_start3A_342 : memref<128xi32, #tpu.memory_space<vmem>>) target_semaphore(%run_scoped3A_333 : memref<!tpu.dma_semaphore, #tpu.memory_space<semaphore_mem>>)
      %dma_wait3A_346 = arith.constant 0 : i32
      %dma_wait3A_347 = tpu.memref_slice %arg9[%run_scoped3A_26, %dma_wait3A_346] : memref<4x128xi32, #tpu.memory_space<vmem>> -> memref<1x128xi32, #tpu.memory_space<vmem>>
      %dma_wait3A_348 = tpu.memref_squeeze %dma_wait3A_347 : memref<1x128xi32, #tpu.memory_space<vmem>> -> memref<128xi32, #tpu.memory_space<vmem>>
      %dma_wait3A_349 = arith.constant 0 : i32
      %dma_wait3A_350 = tpu.memref_slice %arg2[%add3A_25, %dma_wait3A_349] : memref<128x128xi32, #tpu.memory_space<hbm>> -> memref<1x128xi32, #tpu.memory_space<hbm>>
      %dma_wait3A_351 = tpu.memref_squeeze %dma_wait3A_350 : memref<1x128xi32, #tpu.memory_space<hbm>> -> memref<128xi32, #tpu.memory_space<hbm>>
      %dma_wait3A_352 = arith.constant 0 : i32
      %dma_wait3A_353 = tpu.memref_slice %arg9[%run_scoped3A_26, %dma_wait3A_352] : memref<4x128xi32, #tpu.memory_space<vmem>> -> memref<1x128xi32, #tpu.memory_space<vmem>>
      %dma_wait3A_354 = tpu.memref_squeeze %dma_wait3A_353 : memref<1x128xi32, #tpu.memory_space<vmem>> -> memref<128xi32, #tpu.memory_space<vmem>>
      %dma_wait3A_355 = arith.constant 0 : i32
      %dma_wait3A_356 = tpu.memref_slice %arg2[%add3A_25, %dma_wait3A_355] : memref<128x128xi32, #tpu.memory_space<hbm>> -> memref<1x128xi32, #tpu.memory_space<hbm>>
      %dma_wait3A_357 = tpu.memref_squeeze %dma_wait3A_356 : memref<1x128xi32, #tpu.memory_space<hbm>> -> memref<128xi32, #tpu.memory_space<hbm>>
      tpu.wait_dma2 semaphore(%run_scoped3A_333 : memref<!tpu.dma_semaphore, #tpu.memory_space<semaphore_mem>>) src(%dma_wait3A_357 : memref<128xi32, #tpu.memory_space<hbm>>) dst(%dma_wait3A_354 : memref<128xi32, #tpu.memory_space<vmem>>)
      tpu.yield
    }) : () -> ()
    %mul3A_27 = arith.constant 4 : i32
    %mul3A_28 = arith.muli %add3A, %mul3A_27 : i32
    %add3A_29 = arith.constant 2 : i32
    %add3A_30 = arith.addi %mul3A_28, %add3A_29 : i32
    %run_scoped3A_31 = arith.constant 2 : i32
    "tpu.region"() ({
      %run_scoped3A_333 = tpu.sem_alloc : memref<!tpu.dma_semaphore, #tpu.memory_space<semaphore_mem>>
      %dma_start3A_334 = arith.constant 0 : i32
      %dma_start3A_335 = tpu.memref_slice %arg10[%run_scoped3A_31, %dma_start3A_334] : memref<4x128xi32, #tpu.memory_space<vmem>> -> memref<1x128xi32, #tpu.memory_space<vmem>>
      %dma_start3A_336 = tpu.memref_squeeze %dma_start3A_335 : memref<1x128xi32, #tpu.memory_space<vmem>> -> memref<128xi32, #tpu.memory_space<vmem>>
      %dma_start3A_337 = arith.constant 0 : i32
      %dma_start3A_338 = tpu.memref_slice %arg3[%add3A_30, %dma_start3A_337] : memref<128x128xi32, #tpu.memory_space<hbm>> -> memref<1x128xi32, #tpu.memory_space<hbm>>
      %dma_start3A_339 = tpu.memref_squeeze %dma_start3A_338 : memref<1x128xi32, #tpu.memory_space<hbm>> -> memref<128xi32, #tpu.memory_space<hbm>>
      %dma_start3A_340 = arith.constant 0 : i32
      %dma_start3A_341 = tpu.memref_slice %arg10[%run_scoped3A_31, %dma_start3A_340] : memref<4x128xi32, #tpu.memory_space<vmem>> -> memref<1x128xi32, #tpu.memory_space<vmem>>
      %dma_start3A_342 = tpu.memref_squeeze %dma_start3A_341 : memref<1x128xi32, #tpu.memory_space<vmem>> -> memref<128xi32, #tpu.memory_space<vmem>>
      %dma_start3A_343 = arith.constant 0 : i32
      %dma_start3A_344 = tpu.memref_slice %arg3[%add3A_30, %dma_start3A_343] : memref<128x128xi32, #tpu.memory_space<hbm>> -> memref<1x128xi32, #tpu.memory_space<hbm>>
      %dma_start3A_345 = tpu.memref_squeeze %dma_start3A_344 : memref<1x128xi32, #tpu.memory_space<hbm>> -> memref<128xi32, #tpu.memory_space<hbm>>
      tpu.enqueue_dma source(%dma_start3A_345 : memref<128xi32, #tpu.memory_space<hbm>>) target(%dma_start3A_342 : memref<128xi32, #tpu.memory_space<vmem>>) target_semaphore(%run_scoped3A_333 : memref<!tpu.dma_semaphore, #tpu.memory_space<semaphore_mem>>)
      %dma_wait3A_346 = arith.constant 0 : i32
      %dma_wait3A_347 = tpu.memref_slice %arg10[%run_scoped3A_31, %dma_wait3A_346] : memref<4x128xi32, #tpu.memory_space<vmem>> -> memref<1x128xi32, #tpu.memory_space<vmem>>
      %dma_wait3A_348 = tpu.memref_squeeze %dma_wait3A_347 : memref<1x128xi32, #tpu.memory_space<vmem>> -> memref<128xi32, #tpu.memory_space<vmem>>
      %dma_wait3A_349 = arith.constant 0 : i32
      %dma_wait3A_350 = tpu.memref_slice %arg3[%add3A_30, %dma_wait3A_349] : memref<128x128xi32, #tpu.memory_space<hbm>> -> memref<1x128xi32, #tpu.memory_space<hbm>>
      %dma_wait3A_351 = tpu.memref_squeeze %dma_wait3A_350 : memref<1x128xi32, #tpu.memory_space<hbm>> -> memref<128xi32, #tpu.memory_space<hbm>>
      %dma_wait3A_352 = arith.constant 0 : i32
      %dma_wait3A_353 = tpu.memref_slice %arg10[%run_scoped3A_31, %dma_wait3A_352] : memref<4x128xi32, #tpu.memory_space<vmem>> -> memref<1x128xi32, #tpu.memory_space<vmem>>
      %dma_wait3A_354 = tpu.memref_squeeze %dma_wait3A_353 : memref<1x128xi32, #tpu.memory_space<vmem>> -> memref<128xi32, #tpu.memory_space<vmem>>
      %dma_wait3A_355 = arith.constant 0 : i32
      %dma_wait3A_356 = tpu.memref_slice %arg3[%add3A_30, %dma_wait3A_355] : memref<128x128xi32, #tpu.memory_space<hbm>> -> memref<1x128xi32, #tpu.memory_space<hbm>>
      %dma_wait3A_357 = tpu.memref_squeeze %dma_wait3A_356 : memref<1x128xi32, #tpu.memory_space<hbm>> -> memref<128xi32, #tpu.memory_space<hbm>>
      tpu.wait_dma2 semaphore(%run_scoped3A_333 : memref<!tpu.dma_semaphore, #tpu.memory_space<semaphore_mem>>) src(%dma_wait3A_357 : memref<128xi32, #tpu.memory_space<hbm>>) dst(%dma_wait3A_354 : memref<128xi32, #tpu.memory_space<vmem>>)
      tpu.yield
    }) : () -> ()
    %mul3A_32 = arith.constant 4 : i32
    %mul3A_33 = arith.muli %add3A, %mul3A_32 : i32
    %add3A_34 = arith.constant 3 : i32
    %add3A_35 = arith.addi %mul3A_33, %add3A_34 : i32
    %run_scoped3A_36 = arith.constant 3 : i32
    "tpu.region"() ({
      %run_scoped3A_333 = tpu.sem_alloc : memref<!tpu.dma_semaphore, #tpu.memory_space<semaphore_mem>>
      %dma_start3A_334 = arith.constant 0 : i32
      %dma_start3A_335 = tpu.memref_slice %arg9[%run_scoped3A_36, %dma_start3A_334] : memref<4x128xi32, #tpu.memory_space<vmem>> -> memref<1x128xi32, #tpu.memory_space<vmem>>
      %dma_start3A_336 = tpu.memref_squeeze %dma_start3A_335 : memref<1x128xi32, #tpu.memory_space<vmem>> -> memref<128xi32, #tpu.memory_space<vmem>>
      %dma_start3A_337 = arith.constant 0 : i32
      %dma_start3A_338 = tpu.memref_slice %arg2[%add3A_35, %dma_start3A_337] : memref<128x128xi32, #tpu.memory_space<hbm>> -> memref<1x128xi32, #tpu.memory_space<hbm>>
      %dma_start3A_339 = tpu.memref_squeeze %dma_start3A_338 : memref<1x128xi32, #tpu.memory_space<hbm>> -> memref<128xi32, #tpu.memory_space<hbm>>
      %dma_start3A_340 = arith.constant 0 : i32
      %dma_start3A_341 = tpu.memref_slice %arg9[%run_scoped3A_36, %dma_start3A_340] : memref<4x128xi32, #tpu.memory_space<vmem>> -> memref<1x128xi32, #tpu.memory_space<vmem>>
      %dma_start3A_342 = tpu.memref_squeeze %dma_start3A_341 : memref<1x128xi32, #tpu.memory_space<vmem>> -> memref<128xi32, #tpu.memory_space<vmem>>
      %dma_start3A_343 = arith.constant 0 : i32
      %dma_start3A_344 = tpu.memref_slice %arg2[%add3A_35, %dma_start3A_343] : memref<128x128xi32, #tpu.memory_space<hbm>> -> memref<1x128xi32, #tpu.memory_space<hbm>>
      %dma_start3A_345 = tpu.memref_squeeze %dma_start3A_344 : memref<1x128xi32, #tpu.memory_space<hbm>> -> memref<128xi32, #tpu.memory_space<hbm>>
      tpu.enqueue_dma source(%dma_start3A_345 : memref<128xi32, #tpu.memory_space<hbm>>) target(%dma_start3A_342 : memref<128xi32, #tpu.memory_space<vmem>>) target_semaphore(%run_scoped3A_333 : memref<!tpu.dma_semaphore, #tpu.memory_space<semaphore_mem>>)
      %dma_wait3A_346 = arith.constant 0 : i32
      %dma_wait3A_347 = tpu.memref_slice %arg9[%run_scoped3A_36, %dma_wait3A_346] : memref<4x128xi32, #tpu.memory_space<vmem>> -> memref<1x128xi32, #tpu.memory_space<vmem>>
      %dma_wait3A_348 = tpu.memref_squeeze %dma_wait3A_347 : memref<1x128xi32, #tpu.memory_space<vmem>> -> memref<128xi32, #tpu.memory_space<vmem>>
      %dma_wait3A_349 = arith.constant 0 : i32
      %dma_wait3A_350 = tpu.memref_slice %arg2[%add3A_35, %dma_wait3A_349] : memref<128x128xi32, #tpu.memory_space<hbm>> -> memref<1x128xi32, #tpu.memory_space<hbm>>
      %dma_wait3A_351 = tpu.memref_squeeze %dma_wait3A_350 : memref<1x128xi32, #tpu.memory_space<hbm>> -> memref<128xi32, #tpu.memory_space<hbm>>
      %dma_wait3A_352 = arith.constant 0 : i32
      %dma_wait3A_353 = tpu.memref_slice %arg9[%run_scoped3A_36, %dma_wait3A_352] : memref<4x128xi32, #tpu.memory_space<vmem>> -> memref<1x128xi32, #tpu.memory_space<vmem>>
      %dma_wait3A_354 = tpu.memref_squeeze %dma_wait3A_353 : memref<1x128xi32, #tpu.memory_space<vmem>> -> memref<128xi32, #tpu.memory_space<vmem>>
      %dma_wait3A_355 = arith.constant 0 : i32
      %dma_wait3A_356 = tpu.memref_slice %arg2[%add3A_35, %dma_wait3A_355] : memref<128x128xi32, #tpu.memory_space<hbm>> -> memref<1x128xi32, #tpu.memory_space<hbm>>
      %dma_wait3A_357 = tpu.memref_squeeze %dma_wait3A_356 : memref<1x128xi32, #tpu.memory_space<hbm>> -> memref<128xi32, #tpu.memory_space<hbm>>
      tpu.wait_dma2 semaphore(%run_scoped3A_333 : memref<!tpu.dma_semaphore, #tpu.memory_space<semaphore_mem>>) src(%dma_wait3A_357 : memref<128xi32, #tpu.memory_space<hbm>>) dst(%dma_wait3A_354 : memref<128xi32, #tpu.memory_space<vmem>>)
      tpu.yield
    }) : () -> ()
    %mul3A_37 = arith.constant 4 : i32
    %mul3A_38 = arith.muli %add3A, %mul3A_37 : i32
    %add3A_39 = arith.constant 3 : i32
    %add3A_40 = arith.addi %mul3A_38, %add3A_39 : i32
    %run_scoped3A_41 = arith.constant 3 : i32
    "tpu.region"() ({
      %run_scoped3A_333 = tpu.sem_alloc : memref<!tpu.dma_semaphore, #tpu.memory_space<semaphore_mem>>
      %dma_start3A_334 = arith.constant 0 : i32
      %dma_start3A_335 = tpu.memref_slice %arg10[%run_scoped3A_41, %dma_start3A_334] : memref<4x128xi32, #tpu.memory_space<vmem>> -> memref<1x128xi32, #tpu.memory_space<vmem>>
      %dma_start3A_336 = tpu.memref_squeeze %dma_start3A_335 : memref<1x128xi32, #tpu.memory_space<vmem>> -> memref<128xi32, #tpu.memory_space<vmem>>
      %dma_start3A_337 = arith.constant 0 : i32
      %dma_start3A_338 = tpu.memref_slice %arg3[%add3A_40, %dma_start3A_337] : memref<128x128xi32, #tpu.memory_space<hbm>> -> memref<1x128xi32, #tpu.memory_space<hbm>>
      %dma_start3A_339 = tpu.memref_squeeze %dma_start3A_338 : memref<1x128xi32, #tpu.memory_space<hbm>> -> memref<128xi32, #tpu.memory_space<hbm>>
      %dma_start3A_340 = arith.constant 0 : i32
      %dma_start3A_341 = tpu.memref_slice %arg10[%run_scoped3A_41, %dma_start3A_340] : memref<4x128xi32, #tpu.memory_space<vmem>> -> memref<1x128xi32, #tpu.memory_space<vmem>>
      %dma_start3A_342 = tpu.memref_squeeze %dma_start3A_341 : memref<1x128xi32, #tpu.memory_space<vmem>> -> memref<128xi32, #tpu.memory_space<vmem>>
      %dma_start3A_343 = arith.constant 0 : i32
      %dma_start3A_344 = tpu.memref_slice %arg3[%add3A_40, %dma_start3A_343] : memref<128x128xi32, #tpu.memory_space<hbm>> -> memref<1x128xi32, #tpu.memory_space<hbm>>
      %dma_start3A_345 = tpu.memref_squeeze %dma_start3A_344 : memref<1x128xi32, #tpu.memory_space<hbm>> -> memref<128xi32, #tpu.memory_space<hbm>>
      tpu.enqueue_dma source(%dma_start3A_345 : memref<128xi32, #tpu.memory_space<hbm>>) target(%dma_start3A_342 : memref<128xi32, #tpu.memory_space<vmem>>) target_semaphore(%run_scoped3A_333 : memref<!tpu.dma_semaphore, #tpu.memory_space<semaphore_mem>>)
      %dma_wait3A_346 = arith.constant 0 : i32
      %dma_wait3A_347 = tpu.memref_slice %arg10[%run_scoped3A_41, %dma_wait3A_346] : memref<4x128xi32, #tpu.memory_space<vmem>> -> memref<1x128xi32, #tpu.memory_space<vmem>>
      %dma_wait3A_348 = tpu.memref_squeeze %dma_wait3A_347 : memref<1x128xi32, #tpu.memory_space<vmem>> -> memref<128xi32, #tpu.memory_space<vmem>>
      %dma_wait3A_349 = arith.constant 0 : i32
      %dma_wait3A_350 = tpu.memref_slice %arg3[%add3A_40, %dma_wait3A_349] : memref<128x128xi32, #tpu.memory_space<hbm>> -> memref<1x128xi32, #tpu.memory_space<hbm>>
      %dma_wait3A_351 = tpu.memref_squeeze %dma_wait3A_350 : memref<1x128xi32, #tpu.memory_space<hbm>> -> memref<128xi32, #tpu.memory_space<hbm>>
      %dma_wait3A_352 = arith.constant 0 : i32
      %dma_wait3A_353 = tpu.memref_slice %arg10[%run_scoped3A_41, %dma_wait3A_352] : memref<4x128xi32, #tpu.memory_space<vmem>> -> memref<1x128xi32, #tpu.memory_space<vmem>>
      %dma_wait3A_354 = tpu.memref_squeeze %dma_wait3A_353 : memref<1x128xi32, #tpu.memory_space<vmem>> -> memref<128xi32, #tpu.memory_space<vmem>>
      %dma_wait3A_355 = arith.constant 0 : i32
      %dma_wait3A_356 = tpu.memref_slice %arg3[%add3A_40, %dma_wait3A_355] : memref<128x128xi32, #tpu.memory_space<hbm>> -> memref<1x128xi32, #tpu.memory_space<hbm>>
      %dma_wait3A_357 = tpu.memref_squeeze %dma_wait3A_356 : memref<1x128xi32, #tpu.memory_space<hbm>> -> memref<128xi32, #tpu.memory_space<hbm>>
      tpu.wait_dma2 semaphore(%run_scoped3A_333 : memref<!tpu.dma_semaphore, #tpu.memory_space<semaphore_mem>>) src(%dma_wait3A_357 : memref<128xi32, #tpu.memory_space<hbm>>) dst(%dma_wait3A_354 : memref<128xi32, #tpu.memory_space<vmem>>)
      tpu.yield
    }) : () -> ()
    %dma_start3A = arith.constant 0 : i32
    %dma_start3A_42 = arith.constant 0 : i32
    %dma_start3A_43 = arith.constant 0 : i32
    %dma_start3A_44 = tpu.memref_slice %arg11[%dma_start3A_42, %dma_start3A_43] : memref<512x32xf32, #tpu.memory_space<vmem>> -> memref<128x32xf32, #tpu.memory_space<vmem>>
    %dma_start3A_45 = arith.constant 0 : i32
    %dma_start3A_46 = tpu.memref_slice %arg9[%dma_start3A, %dma_start3A_45] : memref<4x128xi32, #tpu.memory_space<vmem>> -> memref<1x128xi32, #tpu.memory_space<vmem>>
    %dma_start3A_47 = tpu.memref_squeeze %dma_start3A_46 : memref<1x128xi32, #tpu.memory_space<vmem>> -> memref<128xi32, #tpu.memory_space<vmem>>
    %dma_start3A_48 = arith.constant 0 : i32
    %dma_start3A_49 = arith.constant 0 : i32
    %dma_start3A_50 = tpu.memref_slice %arg4[%dma_start3A_48, %dma_start3A_49] : memref<1000000x32xf32, #tpu.memory_space<hbm>> -> memref<1000000x32xf32, #tpu.memory_space<hbm>>
    tpu.enqueue_indirect_dma source(%dma_start3A_50 : memref<1000000x32xf32, #tpu.memory_space<hbm>>) target(%dma_start3A_44 : memref<128x32xf32, #tpu.memory_space<vmem>>) offsets(%dma_start3A_47 : memref<128xi32, #tpu.memory_space<vmem>>) semaphore(%arg16 : memref<!tpu.dma_semaphore, #tpu.memory_space<semaphore_mem>>)
    %dma_start3A_51 = arith.constant 0 : i32
    %dma_start3A_52 = arith.constant 0 : i32
    %dma_start3A_53 = arith.constant 0 : i32
    %dma_start3A_54 = tpu.memref_slice %arg12[%dma_start3A_52, %dma_start3A_53] : memref<512x32xf32, #tpu.memory_space<vmem>> -> memref<128x32xf32, #tpu.memory_space<vmem>>
    %dma_start3A_55 = arith.constant 0 : i32
    %dma_start3A_56 = tpu.memref_slice %arg10[%dma_start3A_51, %dma_start3A_55] : memref<4x128xi32, #tpu.memory_space<vmem>> -> memref<1x128xi32, #tpu.memory_space<vmem>>
    %dma_start3A_57 = tpu.memref_squeeze %dma_start3A_56 : memref<1x128xi32, #tpu.memory_space<vmem>> -> memref<128xi32, #tpu.memory_space<vmem>>
    %dma_start3A_58 = arith.constant 0 : i32
    %dma_start3A_59 = arith.constant 0 : i32
    %dma_start3A_60 = tpu.memref_slice %arg5[%dma_start3A_58, %dma_start3A_59] : memref<1000000x32xf32, #tpu.memory_space<hbm>> -> memref<1000000x32xf32, #tpu.memory_space<hbm>>
    tpu.enqueue_indirect_dma source(%dma_start3A_60 : memref<1000000x32xf32, #tpu.memory_space<hbm>>) target(%dma_start3A_54 : memref<128x32xf32, #tpu.memory_space<vmem>>) offsets(%dma_start3A_57 : memref<128xi32, #tpu.memory_space<vmem>>) semaphore(%arg16 : memref<!tpu.dma_semaphore, #tpu.memory_space<semaphore_mem>>)
    %dma_start3A_61 = arith.constant 0 : i32
    %dma_start3A_62 = arith.constant 0 : i32
    %dma_start3A_63 = tpu.memref_slice %arg13[%dma_start3A_62] : memref<512xf32, #tpu.memory_space<vmem>> -> memref<128xf32, #tpu.memory_space<vmem>>
    %dma_start3A_64 = arith.constant 0 : i32
    %dma_start3A_65 = tpu.memref_slice %arg9[%dma_start3A_61, %dma_start3A_64] : memref<4x128xi32, #tpu.memory_space<vmem>> -> memref<1x128xi32, #tpu.memory_space<vmem>>
    %dma_start3A_66 = tpu.memref_squeeze %dma_start3A_65 : memref<1x128xi32, #tpu.memory_space<vmem>> -> memref<128xi32, #tpu.memory_space<vmem>>
    %dma_start3A_67 = arith.constant 0 : i32
    %dma_start3A_68 = tpu.memref_slice %arg6[%dma_start3A_67] : memref<1000000xf32, #tpu.memory_space<hbm>> -> memref<1000000xf32, #tpu.memory_space<hbm>>
    tpu.enqueue_indirect_dma source(%dma_start3A_68 : memref<1000000xf32, #tpu.memory_space<hbm>>) target(%dma_start3A_63 : memref<128xf32, #tpu.memory_space<vmem>>) offsets(%dma_start3A_66 : memref<128xi32, #tpu.memory_space<vmem>>) semaphore(%arg16 : memref<!tpu.dma_semaphore, #tpu.memory_space<semaphore_mem>>)
    %dma_start3A_69 = arith.constant 0 : i32
    %dma_start3A_70 = arith.constant 0 : i32
    %dma_start3A_71 = tpu.memref_slice %arg14[%dma_start3A_70] : memref<512xf32, #tpu.memory_space<vmem>> -> memref<128xf32, #tpu.memory_space<vmem>>
    %dma_start3A_72 = arith.constant 0 : i32
    %dma_start3A_73 = tpu.memref_slice %arg10[%dma_start3A_69, %dma_start3A_72] : memref<4x128xi32, #tpu.memory_space<vmem>> -> memref<1x128xi32, #tpu.memory_space<vmem>>
    %dma_start3A_74 = tpu.memref_squeeze %dma_start3A_73 : memref<1x128xi32, #tpu.memory_space<vmem>> -> memref<128xi32, #tpu.memory_space<vmem>>
    %dma_start3A_75 = arith.constant 0 : i32
    %dma_start3A_76 = tpu.memref_slice %arg7[%dma_start3A_75] : memref<1000000xf32, #tpu.memory_space<hbm>> -> memref<1000000xf32, #tpu.memory_space<hbm>>
    tpu.enqueue_indirect_dma source(%dma_start3A_76 : memref<1000000xf32, #tpu.memory_space<hbm>>) target(%dma_start3A_71 : memref<128xf32, #tpu.memory_space<vmem>>) offsets(%dma_start3A_74 : memref<128xi32, #tpu.memory_space<vmem>>) semaphore(%arg16 : memref<!tpu.dma_semaphore, #tpu.memory_space<semaphore_mem>>)
    %dma_start3A_77 = arith.constant 1 : i32
    %dma_start3A_78 = arith.constant 128 : i32
    %dma_start3A_79 = arith.constant 0 : i32
    %dma_start3A_80 = tpu.memref_slice %arg11[%dma_start3A_78, %dma_start3A_79] : memref<512x32xf32, #tpu.memory_space<vmem>> -> memref<128x32xf32, #tpu.memory_space<vmem>>
    %dma_start3A_81 = arith.constant 0 : i32
    %dma_start3A_82 = tpu.memref_slice %arg9[%dma_start3A_77, %dma_start3A_81] : memref<4x128xi32, #tpu.memory_space<vmem>> -> memref<1x128xi32, #tpu.memory_space<vmem>>
    %dma_start3A_83 = tpu.memref_squeeze %dma_start3A_82 : memref<1x128xi32, #tpu.memory_space<vmem>> -> memref<128xi32, #tpu.memory_space<vmem>>
    %dma_start3A_84 = arith.constant 0 : i32
    %dma_start3A_85 = arith.constant 0 : i32
    %dma_start3A_86 = tpu.memref_slice %arg4[%dma_start3A_84, %dma_start3A_85] : memref<1000000x32xf32, #tpu.memory_space<hbm>> -> memref<1000000x32xf32, #tpu.memory_space<hbm>>
    tpu.enqueue_indirect_dma source(%dma_start3A_86 : memref<1000000x32xf32, #tpu.memory_space<hbm>>) target(%dma_start3A_80 : memref<128x32xf32, #tpu.memory_space<vmem>>) offsets(%dma_start3A_83 : memref<128xi32, #tpu.memory_space<vmem>>) semaphore(%arg16 : memref<!tpu.dma_semaphore, #tpu.memory_space<semaphore_mem>>)
    %dma_start3A_87 = arith.constant 1 : i32
    %dma_start3A_88 = arith.constant 128 : i32
    %dma_start3A_89 = arith.constant 0 : i32
    %dma_start3A_90 = tpu.memref_slice %arg12[%dma_start3A_88, %dma_start3A_89] : memref<512x32xf32, #tpu.memory_space<vmem>> -> memref<128x32xf32, #tpu.memory_space<vmem>>
    %dma_start3A_91 = arith.constant 0 : i32
    %dma_start3A_92 = tpu.memref_slice %arg10[%dma_start3A_87, %dma_start3A_91] : memref<4x128xi32, #tpu.memory_space<vmem>> -> memref<1x128xi32, #tpu.memory_space<vmem>>
    %dma_start3A_93 = tpu.memref_squeeze %dma_start3A_92 : memref<1x128xi32, #tpu.memory_space<vmem>> -> memref<128xi32, #tpu.memory_space<vmem>>
    %dma_start3A_94 = arith.constant 0 : i32
    %dma_start3A_95 = arith.constant 0 : i32
    %dma_start3A_96 = tpu.memref_slice %arg5[%dma_start3A_94, %dma_start3A_95] : memref<1000000x32xf32, #tpu.memory_space<hbm>> -> memref<1000000x32xf32, #tpu.memory_space<hbm>>
    tpu.enqueue_indirect_dma source(%dma_start3A_96 : memref<1000000x32xf32, #tpu.memory_space<hbm>>) target(%dma_start3A_90 : memref<128x32xf32, #tpu.memory_space<vmem>>) offsets(%dma_start3A_93 : memref<128xi32, #tpu.memory_space<vmem>>) semaphore(%arg16 : memref<!tpu.dma_semaphore, #tpu.memory_space<semaphore_mem>>)
    %dma_start3A_97 = arith.constant 1 : i32
    %dma_start3A_98 = arith.constant 128 : i32
    %dma_start3A_99 = tpu.memref_slice %arg13[%dma_start3A_98] : memref<512xf32, #tpu.memory_space<vmem>> -> memref<128xf32, #tpu.memory_space<vmem>>
    %dma_start3A_100 = arith.constant 0 : i32
    %dma_start3A_101 = tpu.memref_slice %arg9[%dma_start3A_97, %dma_start3A_100] : memref<4x128xi32, #tpu.memory_space<vmem>> -> memref<1x128xi32, #tpu.memory_space<vmem>>
    %dma_start3A_102 = tpu.memref_squeeze %dma_start3A_101 : memref<1x128xi32, #tpu.memory_space<vmem>> -> memref<128xi32, #tpu.memory_space<vmem>>
    %dma_start3A_103 = arith.constant 0 : i32
    %dma_start3A_104 = tpu.memref_slice %arg6[%dma_start3A_103] : memref<1000000xf32, #tpu.memory_space<hbm>> -> memref<1000000xf32, #tpu.memory_space<hbm>>
    tpu.enqueue_indirect_dma source(%dma_start3A_104 : memref<1000000xf32, #tpu.memory_space<hbm>>) target(%dma_start3A_99 : memref<128xf32, #tpu.memory_space<vmem>>) offsets(%dma_start3A_102 : memref<128xi32, #tpu.memory_space<vmem>>) semaphore(%arg16 : memref<!tpu.dma_semaphore, #tpu.memory_space<semaphore_mem>>)
    %dma_start3A_105 = arith.constant 1 : i32
    %dma_start3A_106 = arith.constant 128 : i32
    %dma_start3A_107 = tpu.memref_slice %arg14[%dma_start3A_106] : memref<512xf32, #tpu.memory_space<vmem>> -> memref<128xf32, #tpu.memory_space<vmem>>
    %dma_start3A_108 = arith.constant 0 : i32
    %dma_start3A_109 = tpu.memref_slice %arg10[%dma_start3A_105, %dma_start3A_108] : memref<4x128xi32, #tpu.memory_space<vmem>> -> memref<1x128xi32, #tpu.memory_space<vmem>>
    %dma_start3A_110 = tpu.memref_squeeze %dma_start3A_109 : memref<1x128xi32, #tpu.memory_space<vmem>> -> memref<128xi32, #tpu.memory_space<vmem>>
    %dma_start3A_111 = arith.constant 0 : i32
    %dma_start3A_112 = tpu.memref_slice %arg7[%dma_start3A_111] : memref<1000000xf32, #tpu.memory_space<hbm>> -> memref<1000000xf32, #tpu.memory_space<hbm>>
    tpu.enqueue_indirect_dma source(%dma_start3A_112 : memref<1000000xf32, #tpu.memory_space<hbm>>) target(%dma_start3A_107 : memref<128xf32, #tpu.memory_space<vmem>>) offsets(%dma_start3A_110 : memref<128xi32, #tpu.memory_space<vmem>>) semaphore(%arg16 : memref<!tpu.dma_semaphore, #tpu.memory_space<semaphore_mem>>)
    %dma_start3A_113 = arith.constant 2 : i32
    %dma_start3A_114 = arith.constant 256 : i32
    %dma_start3A_115 = arith.constant 0 : i32
    %dma_start3A_116 = tpu.memref_slice %arg11[%dma_start3A_114, %dma_start3A_115] : memref<512x32xf32, #tpu.memory_space<vmem>> -> memref<128x32xf32, #tpu.memory_space<vmem>>
    %dma_start3A_117 = arith.constant 0 : i32
    %dma_start3A_118 = tpu.memref_slice %arg9[%dma_start3A_113, %dma_start3A_117] : memref<4x128xi32, #tpu.memory_space<vmem>> -> memref<1x128xi32, #tpu.memory_space<vmem>>
    %dma_start3A_119 = tpu.memref_squeeze %dma_start3A_118 : memref<1x128xi32, #tpu.memory_space<vmem>> -> memref<128xi32, #tpu.memory_space<vmem>>
    %dma_start3A_120 = arith.constant 0 : i32
    %dma_start3A_121 = arith.constant 0 : i32
    %dma_start3A_122 = tpu.memref_slice %arg4[%dma_start3A_120, %dma_start3A_121] : memref<1000000x32xf32, #tpu.memory_space<hbm>> -> memref<1000000x32xf32, #tpu.memory_space<hbm>>
    tpu.enqueue_indirect_dma source(%dma_start3A_122 : memref<1000000x32xf32, #tpu.memory_space<hbm>>) target(%dma_start3A_116 : memref<128x32xf32, #tpu.memory_space<vmem>>) offsets(%dma_start3A_119 : memref<128xi32, #tpu.memory_space<vmem>>) semaphore(%arg16 : memref<!tpu.dma_semaphore, #tpu.memory_space<semaphore_mem>>)
    %dma_start3A_123 = arith.constant 2 : i32
    %dma_start3A_124 = arith.constant 256 : i32
    %dma_start3A_125 = arith.constant 0 : i32
    %dma_start3A_126 = tpu.memref_slice %arg12[%dma_start3A_124, %dma_start3A_125] : memref<512x32xf32, #tpu.memory_space<vmem>> -> memref<128x32xf32, #tpu.memory_space<vmem>>
    %dma_start3A_127 = arith.constant 0 : i32
    %dma_start3A_128 = tpu.memref_slice %arg10[%dma_start3A_123, %dma_start3A_127] : memref<4x128xi32, #tpu.memory_space<vmem>> -> memref<1x128xi32, #tpu.memory_space<vmem>>
    %dma_start3A_129 = tpu.memref_squeeze %dma_start3A_128 : memref<1x128xi32, #tpu.memory_space<vmem>> -> memref<128xi32, #tpu.memory_space<vmem>>
    %dma_start3A_130 = arith.constant 0 : i32
    %dma_start3A_131 = arith.constant 0 : i32
    %dma_start3A_132 = tpu.memref_slice %arg5[%dma_start3A_130, %dma_start3A_131] : memref<1000000x32xf32, #tpu.memory_space<hbm>> -> memref<1000000x32xf32, #tpu.memory_space<hbm>>
    tpu.enqueue_indirect_dma source(%dma_start3A_132 : memref<1000000x32xf32, #tpu.memory_space<hbm>>) target(%dma_start3A_126 : memref<128x32xf32, #tpu.memory_space<vmem>>) offsets(%dma_start3A_129 : memref<128xi32, #tpu.memory_space<vmem>>) semaphore(%arg16 : memref<!tpu.dma_semaphore, #tpu.memory_space<semaphore_mem>>)
    %dma_start3A_133 = arith.constant 2 : i32
    %dma_start3A_134 = arith.constant 256 : i32
    %dma_start3A_135 = tpu.memref_slice %arg13[%dma_start3A_134] : memref<512xf32, #tpu.memory_space<vmem>> -> memref<128xf32, #tpu.memory_space<vmem>>
    %dma_start3A_136 = arith.constant 0 : i32
    %dma_start3A_137 = tpu.memref_slice %arg9[%dma_start3A_133, %dma_start3A_136] : memref<4x128xi32, #tpu.memory_space<vmem>> -> memref<1x128xi32, #tpu.memory_space<vmem>>
    %dma_start3A_138 = tpu.memref_squeeze %dma_start3A_137 : memref<1x128xi32, #tpu.memory_space<vmem>> -> memref<128xi32, #tpu.memory_space<vmem>>
    %dma_start3A_139 = arith.constant 0 : i32
    %dma_start3A_140 = tpu.memref_slice %arg6[%dma_start3A_139] : memref<1000000xf32, #tpu.memory_space<hbm>> -> memref<1000000xf32, #tpu.memory_space<hbm>>
    tpu.enqueue_indirect_dma source(%dma_start3A_140 : memref<1000000xf32, #tpu.memory_space<hbm>>) target(%dma_start3A_135 : memref<128xf32, #tpu.memory_space<vmem>>) offsets(%dma_start3A_138 : memref<128xi32, #tpu.memory_space<vmem>>) semaphore(%arg16 : memref<!tpu.dma_semaphore, #tpu.memory_space<semaphore_mem>>)
    %dma_start3A_141 = arith.constant 2 : i32
    %dma_start3A_142 = arith.constant 256 : i32
    %dma_start3A_143 = tpu.memref_slice %arg14[%dma_start3A_142] : memref<512xf32, #tpu.memory_space<vmem>> -> memref<128xf32, #tpu.memory_space<vmem>>
    %dma_start3A_144 = arith.constant 0 : i32
    %dma_start3A_145 = tpu.memref_slice %arg10[%dma_start3A_141, %dma_start3A_144] : memref<4x128xi32, #tpu.memory_space<vmem>> -> memref<1x128xi32, #tpu.memory_space<vmem>>
    %dma_start3A_146 = tpu.memref_squeeze %dma_start3A_145 : memref<1x128xi32, #tpu.memory_space<vmem>> -> memref<128xi32, #tpu.memory_space<vmem>>
    %dma_start3A_147 = arith.constant 0 : i32
    %dma_start3A_148 = tpu.memref_slice %arg7[%dma_start3A_147] : memref<1000000xf32, #tpu.memory_space<hbm>> -> memref<1000000xf32, #tpu.memory_space<hbm>>
    tpu.enqueue_indirect_dma source(%dma_start3A_148 : memref<1000000xf32, #tpu.memory_space<hbm>>) target(%dma_start3A_143 : memref<128xf32, #tpu.memory_space<vmem>>) offsets(%dma_start3A_146 : memref<128xi32, #tpu.memory_space<vmem>>) semaphore(%arg16 : memref<!tpu.dma_semaphore, #tpu.memory_space<semaphore_mem>>)
    %dma_start3A_149 = arith.constant 3 : i32
    %dma_start3A_150 = arith.constant 384 : i32
    %dma_start3A_151 = arith.constant 0 : i32
    %dma_start3A_152 = tpu.memref_slice %arg11[%dma_start3A_150, %dma_start3A_151] : memref<512x32xf32, #tpu.memory_space<vmem>> -> memref<128x32xf32, #tpu.memory_space<vmem>>
    %dma_start3A_153 = arith.constant 0 : i32
    %dma_start3A_154 = tpu.memref_slice %arg9[%dma_start3A_149, %dma_start3A_153] : memref<4x128xi32, #tpu.memory_space<vmem>> -> memref<1x128xi32, #tpu.memory_space<vmem>>
    %dma_start3A_155 = tpu.memref_squeeze %dma_start3A_154 : memref<1x128xi32, #tpu.memory_space<vmem>> -> memref<128xi32, #tpu.memory_space<vmem>>
    %dma_start3A_156 = arith.constant 0 : i32
    %dma_start3A_157 = arith.constant 0 : i32
    %dma_start3A_158 = tpu.memref_slice %arg4[%dma_start3A_156, %dma_start3A_157] : memref<1000000x32xf32, #tpu.memory_space<hbm>> -> memref<1000000x32xf32, #tpu.memory_space<hbm>>
    tpu.enqueue_indirect_dma source(%dma_start3A_158 : memref<1000000x32xf32, #tpu.memory_space<hbm>>) target(%dma_start3A_152 : memref<128x32xf32, #tpu.memory_space<vmem>>) offsets(%dma_start3A_155 : memref<128xi32, #tpu.memory_space<vmem>>) semaphore(%arg16 : memref<!tpu.dma_semaphore, #tpu.memory_space<semaphore_mem>>)
    %dma_start3A_159 = arith.constant 3 : i32
    %dma_start3A_160 = arith.constant 384 : i32
    %dma_start3A_161 = arith.constant 0 : i32
    %dma_start3A_162 = tpu.memref_slice %arg12[%dma_start3A_160, %dma_start3A_161] : memref<512x32xf32, #tpu.memory_space<vmem>> -> memref<128x32xf32, #tpu.memory_space<vmem>>
    %dma_start3A_163 = arith.constant 0 : i32
    %dma_start3A_164 = tpu.memref_slice %arg10[%dma_start3A_159, %dma_start3A_163] : memref<4x128xi32, #tpu.memory_space<vmem>> -> memref<1x128xi32, #tpu.memory_space<vmem>>
    %dma_start3A_165 = tpu.memref_squeeze %dma_start3A_164 : memref<1x128xi32, #tpu.memory_space<vmem>> -> memref<128xi32, #tpu.memory_space<vmem>>
    %dma_start3A_166 = arith.constant 0 : i32
    %dma_start3A_167 = arith.constant 0 : i32
    %dma_start3A_168 = tpu.memref_slice %arg5[%dma_start3A_166, %dma_start3A_167] : memref<1000000x32xf32, #tpu.memory_space<hbm>> -> memref<1000000x32xf32, #tpu.memory_space<hbm>>
    tpu.enqueue_indirect_dma source(%dma_start3A_168 : memref<1000000x32xf32, #tpu.memory_space<hbm>>) target(%dma_start3A_162 : memref<128x32xf32, #tpu.memory_space<vmem>>) offsets(%dma_start3A_165 : memref<128xi32, #tpu.memory_space<vmem>>) semaphore(%arg16 : memref<!tpu.dma_semaphore, #tpu.memory_space<semaphore_mem>>)
    %dma_start3A_169 = arith.constant 3 : i32
    %dma_start3A_170 = arith.constant 384 : i32
    %dma_start3A_171 = tpu.memref_slice %arg13[%dma_start3A_170] : memref<512xf32, #tpu.memory_space<vmem>> -> memref<128xf32, #tpu.memory_space<vmem>>
    %dma_start3A_172 = arith.constant 0 : i32
    %dma_start3A_173 = tpu.memref_slice %arg9[%dma_start3A_169, %dma_start3A_172] : memref<4x128xi32, #tpu.memory_space<vmem>> -> memref<1x128xi32, #tpu.memory_space<vmem>>
    %dma_start3A_174 = tpu.memref_squeeze %dma_start3A_173 : memref<1x128xi32, #tpu.memory_space<vmem>> -> memref<128xi32, #tpu.memory_space<vmem>>
    %dma_start3A_175 = arith.constant 0 : i32
    %dma_start3A_176 = tpu.memref_slice %arg6[%dma_start3A_175] : memref<1000000xf32, #tpu.memory_space<hbm>> -> memref<1000000xf32, #tpu.memory_space<hbm>>
    tpu.enqueue_indirect_dma source(%dma_start3A_176 : memref<1000000xf32, #tpu.memory_space<hbm>>) target(%dma_start3A_171 : memref<128xf32, #tpu.memory_space<vmem>>) offsets(%dma_start3A_174 : memref<128xi32, #tpu.memory_space<vmem>>) semaphore(%arg16 : memref<!tpu.dma_semaphore, #tpu.memory_space<semaphore_mem>>)
    %dma_start3A_177 = arith.constant 3 : i32
    %dma_start3A_178 = arith.constant 384 : i32
    %dma_start3A_179 = tpu.memref_slice %arg14[%dma_start3A_178] : memref<512xf32, #tpu.memory_space<vmem>> -> memref<128xf32, #tpu.memory_space<vmem>>
    %dma_start3A_180 = arith.constant 0 : i32
    %dma_start3A_181 = tpu.memref_slice %arg10[%dma_start3A_177, %dma_start3A_180] : memref<4x128xi32, #tpu.memory_space<vmem>> -> memref<1x128xi32, #tpu.memory_space<vmem>>
    %dma_start3A_182 = tpu.memref_squeeze %dma_start3A_181 : memref<1x128xi32, #tpu.memory_space<vmem>> -> memref<128xi32, #tpu.memory_space<vmem>>
    %dma_start3A_183 = arith.constant 0 : i32
    %dma_start3A_184 = tpu.memref_slice %arg7[%dma_start3A_183] : memref<1000000xf32, #tpu.memory_space<hbm>> -> memref<1000000xf32, #tpu.memory_space<hbm>>
    tpu.enqueue_indirect_dma source(%dma_start3A_184 : memref<1000000xf32, #tpu.memory_space<hbm>>) target(%dma_start3A_179 : memref<128xf32, #tpu.memory_space<vmem>>) offsets(%dma_start3A_182 : memref<128xi32, #tpu.memory_space<vmem>>) semaphore(%arg16 : memref<!tpu.dma_semaphore, #tpu.memory_space<semaphore_mem>>)
    %dma_wait3A = arith.constant 0 : i32
    %dma_wait3A_185 = arith.constant 0 : i32
    %dma_wait3A_186 = arith.constant 0 : i32
    %dma_wait3A_187 = tpu.memref_slice %arg11[%dma_wait3A_185, %dma_wait3A_186] : memref<512x32xf32, #tpu.memory_space<vmem>> -> memref<128x32xf32, #tpu.memory_space<vmem>>
    %dma_wait3A_188 = arith.constant 0 : i32
    %dma_wait3A_189 = tpu.memref_slice %arg9[%dma_wait3A, %dma_wait3A_188] : memref<4x128xi32, #tpu.memory_space<vmem>> -> memref<1x128xi32, #tpu.memory_space<vmem>>
    %dma_wait3A_190 = tpu.memref_squeeze %dma_wait3A_189 : memref<1x128xi32, #tpu.memory_space<vmem>> -> memref<128xi32, #tpu.memory_space<vmem>>
    %dma_wait3A_191 = arith.constant 0 : i32
    %dma_wait3A_192 = arith.constant 0 : i32
    %dma_wait3A_193 = tpu.memref_slice %arg4[%dma_wait3A_191, %dma_wait3A_192] : memref<1000000x32xf32, #tpu.memory_space<hbm>> -> memref<1000000x32xf32, #tpu.memory_space<hbm>>
    tpu.wait_indirect_dma semaphore(%arg16 : memref<!tpu.dma_semaphore, #tpu.memory_space<semaphore_mem>>) src(%dma_wait3A_193 : memref<1000000x32xf32, #tpu.memory_space<hbm>>) dst(%dma_wait3A_187 : memref<128x32xf32, #tpu.memory_space<vmem>>)
    %dma_wait3A_194 = arith.constant 0 : i32
    %dma_wait3A_195 = arith.constant 0 : i32
    %dma_wait3A_196 = arith.constant 0 : i32
    %dma_wait3A_197 = tpu.memref_slice %arg12[%dma_wait3A_195, %dma_wait3A_196] : memref<512x32xf32, #tpu.memory_space<vmem>> -> memref<128x32xf32, #tpu.memory_space<vmem>>
    %dma_wait3A_198 = arith.constant 0 : i32
    %dma_wait3A_199 = tpu.memref_slice %arg10[%dma_wait3A_194, %dma_wait3A_198] : memref<4x128xi32, #tpu.memory_space<vmem>> -> memref<1x128xi32, #tpu.memory_space<vmem>>
    %dma_wait3A_200 = tpu.memref_squeeze %dma_wait3A_199 : memref<1x128xi32, #tpu.memory_space<vmem>> -> memref<128xi32, #tpu.memory_space<vmem>>
    %dma_wait3A_201 = arith.constant 0 : i32
    %dma_wait3A_202 = arith.constant 0 : i32
    %dma_wait3A_203 = tpu.memref_slice %arg5[%dma_wait3A_201, %dma_wait3A_202] : memref<1000000x32xf32, #tpu.memory_space<hbm>> -> memref<1000000x32xf32, #tpu.memory_space<hbm>>
    tpu.wait_indirect_dma semaphore(%arg16 : memref<!tpu.dma_semaphore, #tpu.memory_space<semaphore_mem>>) src(%dma_wait3A_203 : memref<1000000x32xf32, #tpu.memory_space<hbm>>) dst(%dma_wait3A_197 : memref<128x32xf32, #tpu.memory_space<vmem>>)
    %dma_wait3A_204 = arith.constant 0 : i32
    %dma_wait3A_205 = arith.constant 0 : i32
    %dma_wait3A_206 = tpu.memref_slice %arg13[%dma_wait3A_205] : memref<512xf32, #tpu.memory_space<vmem>> -> memref<128xf32, #tpu.memory_space<vmem>>
    %dma_wait3A_207 = arith.constant 0 : i32
    %dma_wait3A_208 = tpu.memref_slice %arg9[%dma_wait3A_204, %dma_wait3A_207] : memref<4x128xi32, #tpu.memory_space<vmem>> -> memref<1x128xi32, #tpu.memory_space<vmem>>
    %dma_wait3A_209 = tpu.memref_squeeze %dma_wait3A_208 : memref<1x128xi32, #tpu.memory_space<vmem>> -> memref<128xi32, #tpu.memory_space<vmem>>
    %dma_wait3A_210 = arith.constant 0 : i32
    %dma_wait3A_211 = tpu.memref_slice %arg6[%dma_wait3A_210] : memref<1000000xf32, #tpu.memory_space<hbm>> -> memref<1000000xf32, #tpu.memory_space<hbm>>
    tpu.wait_indirect_dma semaphore(%arg16 : memref<!tpu.dma_semaphore, #tpu.memory_space<semaphore_mem>>) src(%dma_wait3A_211 : memref<1000000xf32, #tpu.memory_space<hbm>>) dst(%dma_wait3A_206 : memref<128xf32, #tpu.memory_space<vmem>>)
    %dma_wait3A_212 = arith.constant 0 : i32
    %dma_wait3A_213 = arith.constant 0 : i32
    %dma_wait3A_214 = tpu.memref_slice %arg14[%dma_wait3A_213] : memref<512xf32, #tpu.memory_space<vmem>> -> memref<128xf32, #tpu.memory_space<vmem>>
    %dma_wait3A_215 = arith.constant 0 : i32
    %dma_wait3A_216 = tpu.memref_slice %arg10[%dma_wait3A_212, %dma_wait3A_215] : memref<4x128xi32, #tpu.memory_space<vmem>> -> memref<1x128xi32, #tpu.memory_space<vmem>>
    %dma_wait3A_217 = tpu.memref_squeeze %dma_wait3A_216 : memref<1x128xi32, #tpu.memory_space<vmem>> -> memref<128xi32, #tpu.memory_space<vmem>>
    %dma_wait3A_218 = arith.constant 0 : i32
    %dma_wait3A_219 = tpu.memref_slice %arg7[%dma_wait3A_218] : memref<1000000xf32, #tpu.memory_space<hbm>> -> memref<1000000xf32, #tpu.memory_space<hbm>>
    tpu.wait_indirect_dma semaphore(%arg16 : memref<!tpu.dma_semaphore, #tpu.memory_space<semaphore_mem>>) src(%dma_wait3A_219 : memref<1000000xf32, #tpu.memory_space<hbm>>) dst(%dma_wait3A_214 : memref<128xf32, #tpu.memory_space<vmem>>)
    %dma_wait3A_220 = arith.constant 1 : i32
    %dma_wait3A_221 = arith.constant 128 : i32
    %dma_wait3A_222 = arith.constant 0 : i32
    %dma_wait3A_223 = tpu.memref_slice %arg11[%dma_wait3A_221, %dma_wait3A_222] : memref<512x32xf32, #tpu.memory_space<vmem>> -> memref<128x32xf32, #tpu.memory_space<vmem>>
    %dma_wait3A_224 = arith.constant 0 : i32
    %dma_wait3A_225 = tpu.memref_slice %arg9[%dma_wait3A_220, %dma_wait3A_224] : memref<4x128xi32, #tpu.memory_space<vmem>> -> memref<1x128xi32, #tpu.memory_space<vmem>>
    %dma_wait3A_226 = tpu.memref_squeeze %dma_wait3A_225 : memref<1x128xi32, #tpu.memory_space<vmem>> -> memref<128xi32, #tpu.memory_space<vmem>>
    %dma_wait3A_227 = arith.constant 0 : i32
    %dma_wait3A_228 = arith.constant 0 : i32
    %dma_wait3A_229 = tpu.memref_slice %arg4[%dma_wait3A_227, %dma_wait3A_228] : memref<1000000x32xf32, #tpu.memory_space<hbm>> -> memref<1000000x32xf32, #tpu.memory_space<hbm>>
    tpu.wait_indirect_dma semaphore(%arg16 : memref<!tpu.dma_semaphore, #tpu.memory_space<semaphore_mem>>) src(%dma_wait3A_229 : memref<1000000x32xf32, #tpu.memory_space<hbm>>) dst(%dma_wait3A_223 : memref<128x32xf32, #tpu.memory_space<vmem>>)
    %dma_wait3A_230 = arith.constant 1 : i32
    %dma_wait3A_231 = arith.constant 128 : i32
    %dma_wait3A_232 = arith.constant 0 : i32
    %dma_wait3A_233 = tpu.memref_slice %arg12[%dma_wait3A_231, %dma_wait3A_232] : memref<512x32xf32, #tpu.memory_space<vmem>> -> memref<128x32xf32, #tpu.memory_space<vmem>>
    %dma_wait3A_234 = arith.constant 0 : i32
    %dma_wait3A_235 = tpu.memref_slice %arg10[%dma_wait3A_230, %dma_wait3A_234] : memref<4x128xi32, #tpu.memory_space<vmem>> -> memref<1x128xi32, #tpu.memory_space<vmem>>
    %dma_wait3A_236 = tpu.memref_squeeze %dma_wait3A_235 : memref<1x128xi32, #tpu.memory_space<vmem>> -> memref<128xi32, #tpu.memory_space<vmem>>
    %dma_wait3A_237 = arith.constant 0 : i32
    %dma_wait3A_238 = arith.constant 0 : i32
    %dma_wait3A_239 = tpu.memref_slice %arg5[%dma_wait3A_237, %dma_wait3A_238] : memref<1000000x32xf32, #tpu.memory_space<hbm>> -> memref<1000000x32xf32, #tpu.memory_space<hbm>>
    tpu.wait_indirect_dma semaphore(%arg16 : memref<!tpu.dma_semaphore, #tpu.memory_space<semaphore_mem>>) src(%dma_wait3A_239 : memref<1000000x32xf32, #tpu.memory_space<hbm>>) dst(%dma_wait3A_233 : memref<128x32xf32, #tpu.memory_space<vmem>>)
    %dma_wait3A_240 = arith.constant 1 : i32
    %dma_wait3A_241 = arith.constant 128 : i32
    %dma_wait3A_242 = tpu.memref_slice %arg13[%dma_wait3A_241] : memref<512xf32, #tpu.memory_space<vmem>> -> memref<128xf32, #tpu.memory_space<vmem>>
    %dma_wait3A_243 = arith.constant 0 : i32
    %dma_wait3A_244 = tpu.memref_slice %arg9[%dma_wait3A_240, %dma_wait3A_243] : memref<4x128xi32, #tpu.memory_space<vmem>> -> memref<1x128xi32, #tpu.memory_space<vmem>>
    %dma_wait3A_245 = tpu.memref_squeeze %dma_wait3A_244 : memref<1x128xi32, #tpu.memory_space<vmem>> -> memref<128xi32, #tpu.memory_space<vmem>>
    %dma_wait3A_246 = arith.constant 0 : i32
    %dma_wait3A_247 = tpu.memref_slice %arg6[%dma_wait3A_246] : memref<1000000xf32, #tpu.memory_space<hbm>> -> memref<1000000xf32, #tpu.memory_space<hbm>>
    tpu.wait_indirect_dma semaphore(%arg16 : memref<!tpu.dma_semaphore, #tpu.memory_space<semaphore_mem>>) src(%dma_wait3A_247 : memref<1000000xf32, #tpu.memory_space<hbm>>) dst(%dma_wait3A_242 : memref<128xf32, #tpu.memory_space<vmem>>)
    %dma_wait3A_248 = arith.constant 1 : i32
    %dma_wait3A_249 = arith.constant 128 : i32
    %dma_wait3A_250 = tpu.memref_slice %arg14[%dma_wait3A_249] : memref<512xf32, #tpu.memory_space<vmem>> -> memref<128xf32, #tpu.memory_space<vmem>>
    %dma_wait3A_251 = arith.constant 0 : i32
    %dma_wait3A_252 = tpu.memref_slice %arg10[%dma_wait3A_248, %dma_wait3A_251] : memref<4x128xi32, #tpu.memory_space<vmem>> -> memref<1x128xi32, #tpu.memory_space<vmem>>
    %dma_wait3A_253 = tpu.memref_squeeze %dma_wait3A_252 : memref<1x128xi32, #tpu.memory_space<vmem>> -> memref<128xi32, #tpu.memory_space<vmem>>
    %dma_wait3A_254 = arith.constant 0 : i32
    %dma_wait3A_255 = tpu.memref_slice %arg7[%dma_wait3A_254] : memref<1000000xf32, #tpu.memory_space<hbm>> -> memref<1000000xf32, #tpu.memory_space<hbm>>
    tpu.wait_indirect_dma semaphore(%arg16 : memref<!tpu.dma_semaphore, #tpu.memory_space<semaphore_mem>>) src(%dma_wait3A_255 : memref<1000000xf32, #tpu.memory_space<hbm>>) dst(%dma_wait3A_250 : memref<128xf32, #tpu.memory_space<vmem>>)
    %dma_wait3A_256 = arith.constant 2 : i32
    %dma_wait3A_257 = arith.constant 256 : i32
    %dma_wait3A_258 = arith.constant 0 : i32
    %dma_wait3A_259 = tpu.memref_slice %arg11[%dma_wait3A_257, %dma_wait3A_258] : memref<512x32xf32, #tpu.memory_space<vmem>> -> memref<128x32xf32, #tpu.memory_space<vmem>>
    %dma_wait3A_260 = arith.constant 0 : i32
    %dma_wait3A_261 = tpu.memref_slice %arg9[%dma_wait3A_256, %dma_wait3A_260] : memref<4x128xi32, #tpu.memory_space<vmem>> -> memref<1x128xi32, #tpu.memory_space<vmem>>
    %dma_wait3A_262 = tpu.memref_squeeze %dma_wait3A_261 : memref<1x128xi32, #tpu.memory_space<vmem>> -> memref<128xi32, #tpu.memory_space<vmem>>
    %dma_wait3A_263 = arith.constant 0 : i32
    %dma_wait3A_264 = arith.constant 0 : i32
    %dma_wait3A_265 = tpu.memref_slice %arg4[%dma_wait3A_263, %dma_wait3A_264] : memref<1000000x32xf32, #tpu.memory_space<hbm>> -> memref<1000000x32xf32, #tpu.memory_space<hbm>>
    tpu.wait_indirect_dma semaphore(%arg16 : memref<!tpu.dma_semaphore, #tpu.memory_space<semaphore_mem>>) src(%dma_wait3A_265 : memref<1000000x32xf32, #tpu.memory_space<hbm>>) dst(%dma_wait3A_259 : memref<128x32xf32, #tpu.memory_space<vmem>>)
    %dma_wait3A_266 = arith.constant 2 : i32
    %dma_wait3A_267 = arith.constant 256 : i32
    %dma_wait3A_268 = arith.constant 0 : i32
    %dma_wait3A_269 = tpu.memref_slice %arg12[%dma_wait3A_267, %dma_wait3A_268] : memref<512x32xf32, #tpu.memory_space<vmem>> -> memref<128x32xf32, #tpu.memory_space<vmem>>
    %dma_wait3A_270 = arith.constant 0 : i32
    %dma_wait3A_271 = tpu.memref_slice %arg10[%dma_wait3A_266, %dma_wait3A_270] : memref<4x128xi32, #tpu.memory_space<vmem>> -> memref<1x128xi32, #tpu.memory_space<vmem>>
    %dma_wait3A_272 = tpu.memref_squeeze %dma_wait3A_271 : memref<1x128xi32, #tpu.memory_space<vmem>> -> memref<128xi32, #tpu.memory_space<vmem>>
    %dma_wait3A_273 = arith.constant 0 : i32
    %dma_wait3A_274 = arith.constant 0 : i32
    %dma_wait3A_275 = tpu.memref_slice %arg5[%dma_wait3A_273, %dma_wait3A_274] : memref<1000000x32xf32, #tpu.memory_space<hbm>> -> memref<1000000x32xf32, #tpu.memory_space<hbm>>
    tpu.wait_indirect_dma semaphore(%arg16 : memref<!tpu.dma_semaphore, #tpu.memory_space<semaphore_mem>>) src(%dma_wait3A_275 : memref<1000000x32xf32, #tpu.memory_space<hbm>>) dst(%dma_wait3A_269 : memref<128x32xf32, #tpu.memory_space<vmem>>)
    %dma_wait3A_276 = arith.constant 2 : i32
    %dma_wait3A_277 = arith.constant 256 : i32
    %dma_wait3A_278 = tpu.memref_slice %arg13[%dma_wait3A_277] : memref<512xf32, #tpu.memory_space<vmem>> -> memref<128xf32, #tpu.memory_space<vmem>>
    %dma_wait3A_279 = arith.constant 0 : i32
    %dma_wait3A_280 = tpu.memref_slice %arg9[%dma_wait3A_276, %dma_wait3A_279] : memref<4x128xi32, #tpu.memory_space<vmem>> -> memref<1x128xi32, #tpu.memory_space<vmem>>
    %dma_wait3A_281 = tpu.memref_squeeze %dma_wait3A_280 : memref<1x128xi32, #tpu.memory_space<vmem>> -> memref<128xi32, #tpu.memory_space<vmem>>
    %dma_wait3A_282 = arith.constant 0 : i32
    %dma_wait3A_283 = tpu.memref_slice %arg6[%dma_wait3A_282] : memref<1000000xf32, #tpu.memory_space<hbm>> -> memref<1000000xf32, #tpu.memory_space<hbm>>
    tpu.wait_indirect_dma semaphore(%arg16 : memref<!tpu.dma_semaphore, #tpu.memory_space<semaphore_mem>>) src(%dma_wait3A_283 : memref<1000000xf32, #tpu.memory_space<hbm>>) dst(%dma_wait3A_278 : memref<128xf32, #tpu.memory_space<vmem>>)
    %dma_wait3A_284 = arith.constant 2 : i32
    %dma_wait3A_285 = arith.constant 256 : i32
    %dma_wait3A_286 = tpu.memref_slice %arg14[%dma_wait3A_285] : memref<512xf32, #tpu.memory_space<vmem>> -> memref<128xf32, #tpu.memory_space<vmem>>
    %dma_wait3A_287 = arith.constant 0 : i32
    %dma_wait3A_288 = tpu.memref_slice %arg10[%dma_wait3A_284, %dma_wait3A_287] : memref<4x128xi32, #tpu.memory_space<vmem>> -> memref<1x128xi32, #tpu.memory_space<vmem>>
    %dma_wait3A_289 = tpu.memref_squeeze %dma_wait3A_288 : memref<1x128xi32, #tpu.memory_space<vmem>> -> memref<128xi32, #tpu.memory_space<vmem>>
    %dma_wait3A_290 = arith.constant 0 : i32
    %dma_wait3A_291 = tpu.memref_slice %arg7[%dma_wait3A_290] : memref<1000000xf32, #tpu.memory_space<hbm>> -> memref<1000000xf32, #tpu.memory_space<hbm>>
    tpu.wait_indirect_dma semaphore(%arg16 : memref<!tpu.dma_semaphore, #tpu.memory_space<semaphore_mem>>) src(%dma_wait3A_291 : memref<1000000xf32, #tpu.memory_space<hbm>>) dst(%dma_wait3A_286 : memref<128xf32, #tpu.memory_space<vmem>>)
    %dma_wait3A_292 = arith.constant 3 : i32
    %dma_wait3A_293 = arith.constant 384 : i32
    %dma_wait3A_294 = arith.constant 0 : i32
    %dma_wait3A_295 = tpu.memref_slice %arg11[%dma_wait3A_293, %dma_wait3A_294] : memref<512x32xf32, #tpu.memory_space<vmem>> -> memref<128x32xf32, #tpu.memory_space<vmem>>
    %dma_wait3A_296 = arith.constant 0 : i32
    %dma_wait3A_297 = tpu.memref_slice %arg9[%dma_wait3A_292, %dma_wait3A_296] : memref<4x128xi32, #tpu.memory_space<vmem>> -> memref<1x128xi32, #tpu.memory_space<vmem>>
    %dma_wait3A_298 = tpu.memref_squeeze %dma_wait3A_297 : memref<1x128xi32, #tpu.memory_space<vmem>> -> memref<128xi32, #tpu.memory_space<vmem>>
    %dma_wait3A_299 = arith.constant 0 : i32
    %dma_wait3A_300 = arith.constant 0 : i32
    %dma_wait3A_301 = tpu.memref_slice %arg4[%dma_wait3A_299, %dma_wait3A_300] : memref<1000000x32xf32, #tpu.memory_space<hbm>> -> memref<1000000x32xf32, #tpu.memory_space<hbm>>
    tpu.wait_indirect_dma semaphore(%arg16 : memref<!tpu.dma_semaphore, #tpu.memory_space<semaphore_mem>>) src(%dma_wait3A_301 : memref<1000000x32xf32, #tpu.memory_space<hbm>>) dst(%dma_wait3A_295 : memref<128x32xf32, #tpu.memory_space<vmem>>)
    %dma_wait3A_302 = arith.constant 3 : i32
    %dma_wait3A_303 = arith.constant 384 : i32
    %dma_wait3A_304 = arith.constant 0 : i32
    %dma_wait3A_305 = tpu.memref_slice %arg12[%dma_wait3A_303, %dma_wait3A_304] : memref<512x32xf32, #tpu.memory_space<vmem>> -> memref<128x32xf32, #tpu.memory_space<vmem>>
    %dma_wait3A_306 = arith.constant 0 : i32
    %dma_wait3A_307 = tpu.memref_slice %arg10[%dma_wait3A_302, %dma_wait3A_306] : memref<4x128xi32, #tpu.memory_space<vmem>> -> memref<1x128xi32, #tpu.memory_space<vmem>>
    %dma_wait3A_308 = tpu.memref_squeeze %dma_wait3A_307 : memref<1x128xi32, #tpu.memory_space<vmem>> -> memref<128xi32, #tpu.memory_space<vmem>>
    %dma_wait3A_309 = arith.constant 0 : i32
    %dma_wait3A_310 = arith.constant 0 : i32
    %dma_wait3A_311 = tpu.memref_slice %arg5[%dma_wait3A_309, %dma_wait3A_310] : memref<1000000x32xf32, #tpu.memory_space<hbm>> -> memref<1000000x32xf32, #tpu.memory_space<hbm>>
    tpu.wait_indirect_dma semaphore(%arg16 : memref<!tpu.dma_semaphore, #tpu.memory_space<semaphore_mem>>) src(%dma_wait3A_311 : memref<1000000x32xf32, #tpu.memory_space<hbm>>) dst(%dma_wait3A_305 : memref<128x32xf32, #tpu.memory_space<vmem>>)
    %dma_wait3A_312 = arith.constant 3 : i32
    %dma_wait3A_313 = arith.constant 384 : i32
    %dma_wait3A_314 = tpu.memref_slice %arg13[%dma_wait3A_313] : memref<512xf32, #tpu.memory_space<vmem>> -> memref<128xf32, #tpu.memory_space<vmem>>
    %dma_wait3A_315 = arith.constant 0 : i32
    %dma_wait3A_316 = tpu.memref_slice %arg9[%dma_wait3A_312, %dma_wait3A_315] : memref<4x128xi32, #tpu.memory_space<vmem>> -> memref<1x128xi32, #tpu.memory_space<vmem>>
    %dma_wait3A_317 = tpu.memref_squeeze %dma_wait3A_316 : memref<1x128xi32, #tpu.memory_space<vmem>> -> memref<128xi32, #tpu.memory_space<vmem>>
    %dma_wait3A_318 = arith.constant 0 : i32
    %dma_wait3A_319 = tpu.memref_slice %arg6[%dma_wait3A_318] : memref<1000000xf32, #tpu.memory_space<hbm>> -> memref<1000000xf32, #tpu.memory_space<hbm>>
    tpu.wait_indirect_dma semaphore(%arg16 : memref<!tpu.dma_semaphore, #tpu.memory_space<semaphore_mem>>) src(%dma_wait3A_319 : memref<1000000xf32, #tpu.memory_space<hbm>>) dst(%dma_wait3A_314 : memref<128xf32, #tpu.memory_space<vmem>>)
    %dma_wait3A_320 = arith.constant 3 : i32
    %dma_wait3A_321 = arith.constant 384 : i32
    %dma_wait3A_322 = tpu.memref_slice %arg14[%dma_wait3A_321] : memref<512xf32, #tpu.memory_space<vmem>> -> memref<128xf32, #tpu.memory_space<vmem>>
    %dma_wait3A_323 = arith.constant 0 : i32
    %dma_wait3A_324 = tpu.memref_slice %arg10[%dma_wait3A_320, %dma_wait3A_323] : memref<4x128xi32, #tpu.memory_space<vmem>> -> memref<1x128xi32, #tpu.memory_space<vmem>>
    %dma_wait3A_325 = tpu.memref_squeeze %dma_wait3A_324 : memref<1x128xi32, #tpu.memory_space<vmem>> -> memref<128xi32, #tpu.memory_space<vmem>>
    %dma_wait3A_326 = arith.constant 0 : i32
    %dma_wait3A_327 = tpu.memref_slice %arg7[%dma_wait3A_326] : memref<1000000xf32, #tpu.memory_space<hbm>> -> memref<1000000xf32, #tpu.memory_space<hbm>>
    tpu.wait_indirect_dma semaphore(%arg16 : memref<!tpu.dma_semaphore, #tpu.memory_space<semaphore_mem>>) src(%dma_wait3A_327 : memref<1000000xf32, #tpu.memory_space<hbm>>) dst(%dma_wait3A_322 : memref<128xf32, #tpu.memory_space<vmem>>)
    %iota3A = tpu.iota {dimensions = array<i32: 0>} : vector<16xi32>
    %scan3A = arith.constant 0 : i32
    %scan3A_328 = arith.constant 0 : i32
    %scan3A_329 = arith.constant 32 : i32
    %scan3A_330 = arith.addi %scan3A_328, %scan3A_329 : i32
    %scan3A_331 = arith.constant 1 : i32
    scf.for %scan3A_333 = %scan3A_328 to %scan3A_330 step %scan3A_331  : i32 {
      %mul3A_334 = arith.constant 16 : i32
      %mul3A_335 = arith.muli %scan3A_333, %mul3A_334 : i32
      %add3A_336 = vector.broadcast %mul3A_335 : i32 to vector<16xi32>
      %add3A_337 = arith.addi %add3A_336, %iota3A : vector<16xi32>
      %mul3A_338 = arith.constant 16 : i32
      %mul3A_339 = arith.muli %scan3A_333, %mul3A_338 : i32
      %get3A = arith.index_cast %mul3A_339 : i32 to index
      %get3A_340 = tpu.vector_load %arg13[%get3A] {strides = array<i32>} : memref<512xf32, #tpu.memory_space<vmem>>, vector<16xf32>,
      %mul3A_341 = arith.constant 16 : i32
      %mul3A_342 = arith.muli %scan3A_333, %mul3A_341 : i32
      %get3A_343 = arith.index_cast %mul3A_342 : i32 to index
      %get3A_344 = tpu.vector_load %arg14[%get3A_343] {strides = array<i32>} : memref<512xf32, #tpu.memory_space<vmem>>, vector<16xf32>,
      %add3A_345 = arith.addf %get3A_340, %get3A_344 : vector<16xf32>
      %broadcast_in_dim3A = arith.constant 0 : i32
      %broadcast_in_dim3A_346 = vector.broadcast %broadcast_in_dim3A : i32 to vector<16xi32>
      %gather3A = tpu.vector_load_idx %arg11[%add3A_337, %broadcast_in_dim3A_346] : memref<512x32xf32, #tpu.memory_space<vmem>>[vector<16xi32>, vector<16xi32>], vector<16xf32>,
      %gather3A_347 = tpu.vector_load_idx %arg12[%add3A_337, %broadcast_in_dim3A_346] : memref<512x32xf32, #tpu.memory_space<vmem>>[vector<16xi32>, vector<16xi32>], vector<16xf32>,
      %mul3A_348 = arith.mulf %gather3A, %gather3A_347 : vector<16xf32>
      %add3A_349 = arith.addf %add3A_345, %mul3A_348 : vector<16xf32>
      %broadcast_in_dim3A_350 = arith.constant 1 : i32
      %broadcast_in_dim3A_351 = vector.broadcast %broadcast_in_dim3A_350 : i32 to vector<16xi32>
      %gather3A_352 = tpu.vector_load_idx %arg11[%add3A_337, %broadcast_in_dim3A_351] : memref<512x32xf32, #tpu.memory_space<vmem>>[vector<16xi32>, vector<16xi32>], vector<16xf32>,
      %gather3A_353 = tpu.vector_load_idx %arg12[%add3A_337, %broadcast_in_dim3A_351] : memref<512x32xf32, #tpu.memory_space<vmem>>[vector<16xi32>, vector<16xi32>], vector<16xf32>,
      %mul3A_354 = arith.mulf %gather3A_352, %gather3A_353 : vector<16xf32>
      %add3A_355 = arith.addf %add3A_349, %mul3A_354 : vector<16xf32>
      %broadcast_in_dim3A_356 = arith.constant 2 : i32
      %broadcast_in_dim3A_357 = vector.broadcast %broadcast_in_dim3A_356 : i32 to vector<16xi32>
      %gather3A_358 = tpu.vector_load_idx %arg11[%add3A_337, %broadcast_in_dim3A_357] : memref<512x32xf32, #tpu.memory_space<vmem>>[vector<16xi32>, vector<16xi32>], vector<16xf32>,
      %gather3A_359 = tpu.vector_load_idx %arg12[%add3A_337, %broadcast_in_dim3A_357] : memref<512x32xf32, #tpu.memory_space<vmem>>[vector<16xi32>, vector<16xi32>], vector<16xf32>,
      %mul3A_360 = arith.mulf %gather3A_358, %gather3A_359 : vector<16xf32>
      %add3A_361 = arith.addf %add3A_355, %mul3A_360 : vector<16xf32>
      %broadcast_in_dim3A_362 = arith.constant 3 : i32
      %broadcast_in_dim3A_363 = vector.broadcast %broadcast_in_dim3A_362 : i32 to vector<16xi32>
      %gather3A_364 = tpu.vector_load_idx %arg11[%add3A_337, %broadcast_in_dim3A_363] : memref<512x32xf32, #tpu.memory_space<vmem>>[vector<16xi32>, vector<16xi32>], vector<16xf32>,
      %gather3A_365 = tpu.vector_load_idx %arg12[%add3A_337, %broadcast_in_dim3A_363] : memref<512x32xf32, #tpu.memory_space<vmem>>[vector<16xi32>, vector<16xi32>], vector<16xf32>,
      %mul3A_366 = arith.mulf %gather3A_364, %gather3A_365 : vector<16xf32>
      %add3A_367 = arith.addf %add3A_361, %mul3A_366 : vector<16xf32>
      %broadcast_in_dim3A_368 = arith.constant 4 : i32
      %broadcast_in_dim3A_369 = vector.broadcast %broadcast_in_dim3A_368 : i32 to vector<16xi32>
      %gather3A_370 = tpu.vector_load_idx %arg11[%add3A_337, %broadcast_in_dim3A_369] : memref<512x32xf32, #tpu.memory_space<vmem>>[vector<16xi32>, vector<16xi32>], vector<16xf32>,
      %gather3A_371 = tpu.vector_load_idx %arg12[%add3A_337, %broadcast_in_dim3A_369] : memref<512x32xf32, #tpu.memory_space<vmem>>[vector<16xi32>, vector<16xi32>], vector<16xf32>,
      %mul3A_372 = arith.mulf %gather3A_370, %gather3A_371 : vector<16xf32>
      %add3A_373 = arith.addf %add3A_367, %mul3A_372 : vector<16xf32>
      %broadcast_in_dim3A_374 = arith.constant 5 : i32
      %broadcast_in_dim3A_375 = vector.broadcast %broadcast_in_dim3A_374 : i32 to vector<16xi32>
      %gather3A_376 = tpu.vector_load_idx %arg11[%add3A_337, %broadcast_in_dim3A_375] : memref<512x32xf32, #tpu.memory_space<vmem>>[vector<16xi32>, vector<16xi32>], vector<16xf32>,
      %gather3A_377 = tpu.vector_load_idx %arg12[%add3A_337, %broadcast_in_dim3A_375] : memref<512x32xf32, #tpu.memory_space<vmem>>[vector<16xi32>, vector<16xi32>], vector<16xf32>,
      %mul3A_378 = arith.mulf %gather3A_376, %gather3A_377 : vector<16xf32>
      %add3A_379 = arith.addf %add3A_373, %mul3A_378 : vector<16xf32>
      %broadcast_in_dim3A_380 = arith.constant 6 : i32
      %broadcast_in_dim3A_381 = vector.broadcast %broadcast_in_dim3A_380 : i32 to vector<16xi32>
      %gather3A_382 = tpu.vector_load_idx %arg11[%add3A_337, %broadcast_in_dim3A_381] : memref<512x32xf32, #tpu.memory_space<vmem>>[vector<16xi32>, vector<16xi32>], vector<16xf32>,
      %gather3A_383 = tpu.vector_load_idx %arg12[%add3A_337, %broadcast_in_dim3A_381] : memref<512x32xf32, #tpu.memory_space<vmem>>[vector<16xi32>, vector<16xi32>], vector<16xf32>,
      %mul3A_384 = arith.mulf %gather3A_382, %gather3A_383 : vector<16xf32>
      %add3A_385 = arith.addf %add3A_379, %mul3A_384 : vector<16xf32>
      %broadcast_in_dim3A_386 = arith.constant 7 : i32
      %broadcast_in_dim3A_387 = vector.broadcast %broadcast_in_dim3A_386 : i32 to vector<16xi32>
      %gather3A_388 = tpu.vector_load_idx %arg11[%add3A_337, %broadcast_in_dim3A_387] : memref<512x32xf32, #tpu.memory_space<vmem>>[vector<16xi32>, vector<16xi32>], vector<16xf32>,
      %gather3A_389 = tpu.vector_load_idx %arg12[%add3A_337, %broadcast_in_dim3A_387] : memref<512x32xf32, #tpu.memory_space<vmem>>[vector<16xi32>, vector<16xi32>], vector<16xf32>,
      %mul3A_390 = arith.mulf %gather3A_388, %gather3A_389 : vector<16xf32>
      %add3A_391 = arith.addf %add3A_385, %mul3A_390 : vector<16xf32>
      %broadcast_in_dim3A_392 = arith.constant 8 : i32
      %broadcast_in_dim3A_393 = vector.broadcast %broadcast_in_dim3A_392 : i32 to vector<16xi32>
      %gather3A_394 = tpu.vector_load_idx %arg11[%add3A_337, %broadcast_in_dim3A_393] : memref<512x32xf32, #tpu.memory_space<vmem>>[vector<16xi32>, vector<16xi32>], vector<16xf32>,
      %gather3A_395 = tpu.vector_load_idx %arg12[%add3A_337, %broadcast_in_dim3A_393] : memref<512x32xf32, #tpu.memory_space<vmem>>[vector<16xi32>, vector<16xi32>], vector<16xf32>,
      %mul3A_396 = arith.mulf %gather3A_394, %gather3A_395 : vector<16xf32>
      %add3A_397 = arith.addf %add3A_391, %mul3A_396 : vector<16xf32>
      %broadcast_in_dim3A_398 = arith.constant 9 : i32
      %broadcast_in_dim3A_399 = vector.broadcast %broadcast_in_dim3A_398 : i32 to vector<16xi32>
      %gather3A_400 = tpu.vector_load_idx %arg11[%add3A_337, %broadcast_in_dim3A_399] : memref<512x32xf32, #tpu.memory_space<vmem>>[vector<16xi32>, vector<16xi32>], vector<16xf32>,
      %gather3A_401 = tpu.vector_load_idx %arg12[%add3A_337, %broadcast_in_dim3A_399] : memref<512x32xf32, #tpu.memory_space<vmem>>[vector<16xi32>, vector<16xi32>], vector<16xf32>,
      %mul3A_402 = arith.mulf %gather3A_400, %gather3A_401 : vector<16xf32>
      %add3A_403 = arith.addf %add3A_397, %mul3A_402 : vector<16xf32>
      %broadcast_in_dim3A_404 = arith.constant 10 : i32
      %broadcast_in_dim3A_405 = vector.broadcast %broadcast_in_dim3A_404 : i32 to vector<16xi32>
      %gather3A_406 = tpu.vector_load_idx %arg11[%add3A_337, %broadcast_in_dim3A_405] : memref<512x32xf32, #tpu.memory_space<vmem>>[vector<16xi32>, vector<16xi32>], vector<16xf32>,
      %gather3A_407 = tpu.vector_load_idx %arg12[%add3A_337, %broadcast_in_dim3A_405] : memref<512x32xf32, #tpu.memory_space<vmem>>[vector<16xi32>, vector<16xi32>], vector<16xf32>,
      %mul3A_408 = arith.mulf %gather3A_406, %gather3A_407 : vector<16xf32>
      %add3A_409 = arith.addf %add3A_403, %mul3A_408 : vector<16xf32>
      %broadcast_in_dim3A_410 = arith.constant 11 : i32
      %broadcast_in_dim3A_411 = vector.broadcast %broadcast_in_dim3A_410 : i32 to vector<16xi32>
      %gather3A_412 = tpu.vector_load_idx %arg11[%add3A_337, %broadcast_in_dim3A_411] : memref<512x32xf32, #tpu.memory_space<vmem>>[vector<16xi32>, vector<16xi32>], vector<16xf32>,
      %gather3A_413 = tpu.vector_load_idx %arg12[%add3A_337, %broadcast_in_dim3A_411] : memref<512x32xf32, #tpu.memory_space<vmem>>[vector<16xi32>, vector<16xi32>], vector<16xf32>,
      %mul3A_414 = arith.mulf %gather3A_412, %gather3A_413 : vector<16xf32>
      %add3A_415 = arith.addf %add3A_409, %mul3A_414 : vector<16xf32>
      %broadcast_in_dim3A_416 = arith.constant 12 : i32
      %broadcast_in_dim3A_417 = vector.broadcast %broadcast_in_dim3A_416 : i32 to vector<16xi32>
      %gather3A_418 = tpu.vector_load_idx %arg11[%add3A_337, %broadcast_in_dim3A_417] : memref<512x32xf32, #tpu.memory_space<vmem>>[vector<16xi32>, vector<16xi32>], vector<16xf32>,
      %gather3A_419 = tpu.vector_load_idx %arg12[%add3A_337, %broadcast_in_dim3A_417] : memref<512x32xf32, #tpu.memory_space<vmem>>[vector<16xi32>, vector<16xi32>], vector<16xf32>,
      %mul3A_420 = arith.mulf %gather3A_418, %gather3A_419 : vector<16xf32>
      %add3A_421 = arith.addf %add3A_415, %mul3A_420 : vector<16xf32>
      %broadcast_in_dim3A_422 = arith.constant 13 : i32
      %broadcast_in_dim3A_423 = vector.broadcast %broadcast_in_dim3A_422 : i32 to vector<16xi32>
      %gather3A_424 = tpu.vector_load_idx %arg11[%add3A_337, %broadcast_in_dim3A_423] : memref<512x32xf32, #tpu.memory_space<vmem>>[vector<16xi32>, vector<16xi32>], vector<16xf32>,
      %gather3A_425 = tpu.vector_load_idx %arg12[%add3A_337, %broadcast_in_dim3A_423] : memref<512x32xf32, #tpu.memory_space<vmem>>[vector<16xi32>, vector<16xi32>], vector<16xf32>,
      %mul3A_426 = arith.mulf %gather3A_424, %gather3A_425 : vector<16xf32>
      %add3A_427 = arith.addf %add3A_421, %mul3A_426 : vector<16xf32>
      %broadcast_in_dim3A_428 = arith.constant 14 : i32
      %broadcast_in_dim3A_429 = vector.broadcast %broadcast_in_dim3A_428 : i32 to vector<16xi32>
      %gather3A_430 = tpu.vector_load_idx %arg11[%add3A_337, %broadcast_in_dim3A_429] : memref<512x32xf32, #tpu.memory_space<vmem>>[vector<16xi32>, vector<16xi32>], vector<16xf32>,
      %gather3A_431 = tpu.vector_load_idx %arg12[%add3A_337, %broadcast_in_dim3A_429] : memref<512x32xf32, #tpu.memory_space<vmem>>[vector<16xi32>, vector<16xi32>], vector<16xf32>,
      %mul3A_432 = arith.mulf %gather3A_430, %gather3A_431 : vector<16xf32>
      %add3A_433 = arith.addf %add3A_427, %mul3A_432 : vector<16xf32>
      %broadcast_in_dim3A_434 = arith.constant 15 : i32
      %broadcast_in_dim3A_435 = vector.broadcast %broadcast_in_dim3A_434 : i32 to vector<16xi32>
      %gather3A_436 = tpu.vector_load_idx %arg11[%add3A_337, %broadcast_in_dim3A_435] : memref<512x32xf32, #tpu.memory_space<vmem>>[vector<16xi32>, vector<16xi32>], vector<16xf32>,
      %gather3A_437 = tpu.vector_load_idx %arg12[%add3A_337, %broadcast_in_dim3A_435] : memref<512x32xf32, #tpu.memory_space<vmem>>[vector<16xi32>, vector<16xi32>], vector<16xf32>,
      %mul3A_438 = arith.mulf %gather3A_436, %gather3A_437 : vector<16xf32>
      %add3A_439 = arith.addf %add3A_433, %mul3A_438 : vector<16xf32>
      %broadcast_in_dim3A_440 = arith.constant 16 : i32
      %broadcast_in_dim3A_441 = vector.broadcast %broadcast_in_dim3A_440 : i32 to vector<16xi32>
      %gather3A_442 = tpu.vector_load_idx %arg11[%add3A_337, %broadcast_in_dim3A_441] : memref<512x32xf32, #tpu.memory_space<vmem>>[vector<16xi32>, vector<16xi32>], vector<16xf32>,
      %gather3A_443 = tpu.vector_load_idx %arg12[%add3A_337, %broadcast_in_dim3A_441] : memref<512x32xf32, #tpu.memory_space<vmem>>[vector<16xi32>, vector<16xi32>], vector<16xf32>,
      %mul3A_444 = arith.mulf %gather3A_442, %gather3A_443 : vector<16xf32>
      %add3A_445 = arith.addf %add3A_439, %mul3A_444 : vector<16xf32>
      %broadcast_in_dim3A_446 = arith.constant 17 : i32
      %broadcast_in_dim3A_447 = vector.broadcast %broadcast_in_dim3A_446 : i32 to vector<16xi32>
      %gather3A_448 = tpu.vector_load_idx %arg11[%add3A_337, %broadcast_in_dim3A_447] : memref<512x32xf32, #tpu.memory_space<vmem>>[vector<16xi32>, vector<16xi32>], vector<16xf32>,
      %gather3A_449 = tpu.vector_load_idx %arg12[%add3A_337, %broadcast_in_dim3A_447] : memref<512x32xf32, #tpu.memory_space<vmem>>[vector<16xi32>, vector<16xi32>], vector<16xf32>,
      %mul3A_450 = arith.mulf %gather3A_448, %gather3A_449 : vector<16xf32>
      %add3A_451 = arith.addf %add3A_445, %mul3A_450 : vector<16xf32>
      %broadcast_in_dim3A_452 = arith.constant 18 : i32
      %broadcast_in_dim3A_453 = vector.broadcast %broadcast_in_dim3A_452 : i32 to vector<16xi32>
      %gather3A_454 = tpu.vector_load_idx %arg11[%add3A_337, %broadcast_in_dim3A_453] : memref<512x32xf32, #tpu.memory_space<vmem>>[vector<16xi32>, vector<16xi32>], vector<16xf32>,
      %gather3A_455 = tpu.vector_load_idx %arg12[%add3A_337, %broadcast_in_dim3A_453] : memref<512x32xf32, #tpu.memory_space<vmem>>[vector<16xi32>, vector<16xi32>], vector<16xf32>,
      %mul3A_456 = arith.mulf %gather3A_454, %gather3A_455 : vector<16xf32>
      %add3A_457 = arith.addf %add3A_451, %mul3A_456 : vector<16xf32>
      %broadcast_in_dim3A_458 = arith.constant 19 : i32
      %broadcast_in_dim3A_459 = vector.broadcast %broadcast_in_dim3A_458 : i32 to vector<16xi32>
      %gather3A_460 = tpu.vector_load_idx %arg11[%add3A_337, %broadcast_in_dim3A_459] : memref<512x32xf32, #tpu.memory_space<vmem>>[vector<16xi32>, vector<16xi32>], vector<16xf32>,
      %gather3A_461 = tpu.vector_load_idx %arg12[%add3A_337, %broadcast_in_dim3A_459] : memref<512x32xf32, #tpu.memory_space<vmem>>[vector<16xi32>, vector<16xi32>], vector<16xf32>,
      %mul3A_462 = arith.mulf %gather3A_460, %gather3A_461 : vector<16xf32>
      %add3A_463 = arith.addf %add3A_457, %mul3A_462 : vector<16xf32>
      %broadcast_in_dim3A_464 = arith.constant 20 : i32
      %broadcast_in_dim3A_465 = vector.broadcast %broadcast_in_dim3A_464 : i32 to vector<16xi32>
      %gather3A_466 = tpu.vector_load_idx %arg11[%add3A_337, %broadcast_in_dim3A_465] : memref<512x32xf32, #tpu.memory_space<vmem>>[vector<16xi32>, vector<16xi32>], vector<16xf32>,
      %gather3A_467 = tpu.vector_load_idx %arg12[%add3A_337, %broadcast_in_dim3A_465] : memref<512x32xf32, #tpu.memory_space<vmem>>[vector<16xi32>, vector<16xi32>], vector<16xf32>,
      %mul3A_468 = arith.mulf %gather3A_466, %gather3A_467 : vector<16xf32>
      %add3A_469 = arith.addf %add3A_463, %mul3A_468 : vector<16xf32>
      %broadcast_in_dim3A_470 = arith.constant 21 : i32
      %broadcast_in_dim3A_471 = vector.broadcast %broadcast_in_dim3A_470 : i32 to vector<16xi32>
      %gather3A_472 = tpu.vector_load_idx %arg11[%add3A_337, %broadcast_in_dim3A_471] : memref<512x32xf32, #tpu.memory_space<vmem>>[vector<16xi32>, vector<16xi32>], vector<16xf32>,
      %gather3A_473 = tpu.vector_load_idx %arg12[%add3A_337, %broadcast_in_dim3A_471] : memref<512x32xf32, #tpu.memory_space<vmem>>[vector<16xi32>, vector<16xi32>], vector<16xf32>,
      %mul3A_474 = arith.mulf %gather3A_472, %gather3A_473 : vector<16xf32>
      %add3A_475 = arith.addf %add3A_469, %mul3A_474 : vector<16xf32>
      %broadcast_in_dim3A_476 = arith.constant 22 : i32
      %broadcast_in_dim3A_477 = vector.broadcast %broadcast_in_dim3A_476 : i32 to vector<16xi32>
      %gather3A_478 = tpu.vector_load_idx %arg11[%add3A_337, %broadcast_in_dim3A_477] : memref<512x32xf32, #tpu.memory_space<vmem>>[vector<16xi32>, vector<16xi32>], vector<16xf32>,
      %gather3A_479 = tpu.vector_load_idx %arg12[%add3A_337, %broadcast_in_dim3A_477] : memref<512x32xf32, #tpu.memory_space<vmem>>[vector<16xi32>, vector<16xi32>], vector<16xf32>,
      %mul3A_480 = arith.mulf %gather3A_478, %gather3A_479 : vector<16xf32>
      %add3A_481 = arith.addf %add3A_475, %mul3A_480 : vector<16xf32>
      %broadcast_in_dim3A_482 = arith.constant 23 : i32
      %broadcast_in_dim3A_483 = vector.broadcast %broadcast_in_dim3A_482 : i32 to vector<16xi32>
      %gather3A_484 = tpu.vector_load_idx %arg11[%add3A_337, %broadcast_in_dim3A_483] : memref<512x32xf32, #tpu.memory_space<vmem>>[vector<16xi32>, vector<16xi32>], vector<16xf32>,
      %gather3A_485 = tpu.vector_load_idx %arg12[%add3A_337, %broadcast_in_dim3A_483] : memref<512x32xf32, #tpu.memory_space<vmem>>[vector<16xi32>, vector<16xi32>], vector<16xf32>,
      %mul3A_486 = arith.mulf %gather3A_484, %gather3A_485 : vector<16xf32>
      %add3A_487 = arith.addf %add3A_481, %mul3A_486 : vector<16xf32>
      %broadcast_in_dim3A_488 = arith.constant 24 : i32
      %broadcast_in_dim3A_489 = vector.broadcast %broadcast_in_dim3A_488 : i32 to vector<16xi32>
      %gather3A_490 = tpu.vector_load_idx %arg11[%add3A_337, %broadcast_in_dim3A_489] : memref<512x32xf32, #tpu.memory_space<vmem>>[vector<16xi32>, vector<16xi32>], vector<16xf32>,
      %gather3A_491 = tpu.vector_load_idx %arg12[%add3A_337, %broadcast_in_dim3A_489] : memref<512x32xf32, #tpu.memory_space<vmem>>[vector<16xi32>, vector<16xi32>], vector<16xf32>,
      %mul3A_492 = arith.mulf %gather3A_490, %gather3A_491 : vector<16xf32>
      %add3A_493 = arith.addf %add3A_487, %mul3A_492 : vector<16xf32>
      %broadcast_in_dim3A_494 = arith.constant 25 : i32
      %broadcast_in_dim3A_495 = vector.broadcast %broadcast_in_dim3A_494 : i32 to vector<16xi32>
      %gather3A_496 = tpu.vector_load_idx %arg11[%add3A_337, %broadcast_in_dim3A_495] : memref<512x32xf32, #tpu.memory_space<vmem>>[vector<16xi32>, vector<16xi32>], vector<16xf32>,
      %gather3A_497 = tpu.vector_load_idx %arg12[%add3A_337, %broadcast_in_dim3A_495] : memref<512x32xf32, #tpu.memory_space<vmem>>[vector<16xi32>, vector<16xi32>], vector<16xf32>,
      %mul3A_498 = arith.mulf %gather3A_496, %gather3A_497 : vector<16xf32>
      %add3A_499 = arith.addf %add3A_493, %mul3A_498 : vector<16xf32>
      %broadcast_in_dim3A_500 = arith.constant 26 : i32
      %broadcast_in_dim3A_501 = vector.broadcast %broadcast_in_dim3A_500 : i32 to vector<16xi32>
      %gather3A_502 = tpu.vector_load_idx %arg11[%add3A_337, %broadcast_in_dim3A_501] : memref<512x32xf32, #tpu.memory_space<vmem>>[vector<16xi32>, vector<16xi32>], vector<16xf32>,
      %gather3A_503 = tpu.vector_load_idx %arg12[%add3A_337, %broadcast_in_dim3A_501] : memref<512x32xf32, #tpu.memory_space<vmem>>[vector<16xi32>, vector<16xi32>], vector<16xf32>,
      %mul3A_504 = arith.mulf %gather3A_502, %gather3A_503 : vector<16xf32>
      %add3A_505 = arith.addf %add3A_499, %mul3A_504 : vector<16xf32>
      %broadcast_in_dim3A_506 = arith.constant 27 : i32
      %broadcast_in_dim3A_507 = vector.broadcast %broadcast_in_dim3A_506 : i32 to vector<16xi32>
      %gather3A_508 = tpu.vector_load_idx %arg11[%add3A_337, %broadcast_in_dim3A_507] : memref<512x32xf32, #tpu.memory_space<vmem>>[vector<16xi32>, vector<16xi32>], vector<16xf32>,
      %gather3A_509 = tpu.vector_load_idx %arg12[%add3A_337, %broadcast_in_dim3A_507] : memref<512x32xf32, #tpu.memory_space<vmem>>[vector<16xi32>, vector<16xi32>], vector<16xf32>,
      %mul3A_510 = arith.mulf %gather3A_508, %gather3A_509 : vector<16xf32>
      %add3A_511 = arith.addf %add3A_505, %mul3A_510 : vector<16xf32>
      %broadcast_in_dim3A_512 = arith.constant 28 : i32
      %broadcast_in_dim3A_513 = vector.broadcast %broadcast_in_dim3A_512 : i32 to vector<16xi32>
      %gather3A_514 = tpu.vector_load_idx %arg11[%add3A_337, %broadcast_in_dim3A_513] : memref<512x32xf32, #tpu.memory_space<vmem>>[vector<16xi32>, vector<16xi32>], vector<16xf32>,
      %gather3A_515 = tpu.vector_load_idx %arg12[%add3A_337, %broadcast_in_dim3A_513] : memref<512x32xf32, #tpu.memory_space<vmem>>[vector<16xi32>, vector<16xi32>], vector<16xf32>,
      %mul3A_516 = arith.mulf %gather3A_514, %gather3A_515 : vector<16xf32>
      %add3A_517 = arith.addf %add3A_511, %mul3A_516 : vector<16xf32>
      %broadcast_in_dim3A_518 = arith.constant 29 : i32
      %broadcast_in_dim3A_519 = vector.broadcast %broadcast_in_dim3A_518 : i32 to vector<16xi32>
      %gather3A_520 = tpu.vector_load_idx %arg11[%add3A_337, %broadcast_in_dim3A_519] : memref<512x32xf32, #tpu.memory_space<vmem>>[vector<16xi32>, vector<16xi32>], vector<16xf32>,
      %gather3A_521 = tpu.vector_load_idx %arg12[%add3A_337, %broadcast_in_dim3A_519] : memref<512x32xf32, #tpu.memory_space<vmem>>[vector<16xi32>, vector<16xi32>], vector<16xf32>,
      %mul3A_522 = arith.mulf %gather3A_520, %gather3A_521 : vector<16xf32>
      %add3A_523 = arith.addf %add3A_517, %mul3A_522 : vector<16xf32>
      %broadcast_in_dim3A_524 = arith.constant 30 : i32
      %broadcast_in_dim3A_525 = vector.broadcast %broadcast_in_dim3A_524 : i32 to vector<16xi32>
      %gather3A_526 = tpu.vector_load_idx %arg11[%add3A_337, %broadcast_in_dim3A_525] : memref<512x32xf32, #tpu.memory_space<vmem>>[vector<16xi32>, vector<16xi32>], vector<16xf32>,
      %gather3A_527 = tpu.vector_load_idx %arg12[%add3A_337, %broadcast_in_dim3A_525] : memref<512x32xf32, #tpu.memory_space<vmem>>[vector<16xi32>, vector<16xi32>], vector<16xf32>,
      %mul3A_528 = arith.mulf %gather3A_526, %gather3A_527 : vector<16xf32>
      %add3A_529 = arith.addf %add3A_523, %mul3A_528 : vector<16xf32>
      %broadcast_in_dim3A_530 = arith.constant 31 : i32
      %broadcast_in_dim3A_531 = vector.broadcast %broadcast_in_dim3A_530 : i32 to vector<16xi32>
      %gather3A_532 = tpu.vector_load_idx %arg11[%add3A_337, %broadcast_in_dim3A_531] : memref<512x32xf32, #tpu.memory_space<vmem>>[vector<16xi32>, vector<16xi32>], vector<16xf32>,
      %gather3A_533 = tpu.vector_load_idx %arg12[%add3A_337, %broadcast_in_dim3A_531] : memref<512x32xf32, #tpu.memory_space<vmem>>[vector<16xi32>, vector<16xi32>], vector<16xf32>,
      %mul3A_534 = arith.mulf %gather3A_532, %gather3A_533 : vector<16xf32>
      %add3A_535 = arith.addf %add3A_529, %mul3A_534 : vector<16xf32>
      %mul3A_536 = arith.constant 16 : i32
      %mul3A_537 = arith.muli %scan3A_333, %mul3A_536 : i32
      %swap3A = arith.index_cast %mul3A_537 : i32 to index
      %swap3A_538 = tpu.vector_load %arg15[%swap3A] {strides = array<i32>} : memref<512xf32, #tpu.memory_space<vmem>>, vector<16xf32>,
      tpu.vector_store %arg15[%swap3A], %add3A_535 {strides = array<i32>} : memref<512xf32, #tpu.memory_space<vmem>>, vector<16xf32>,
    }
    %scan3A_332 = arith.constant 32 : i32
    "tpu.region"() ({
      %run_scoped3A_333 = tpu.sem_alloc : memref<!tpu.dma_semaphore, #tpu.memory_space<semaphore_mem>>
      %dma_start3A_334 = tpu.memref_slice %arg8[%mul3A_2] : memref<16384xf32, #tpu.memory_space<hbm>> -> memref<512xf32, #tpu.memory_space<hbm>>
      %dma_start3A_335 = tpu.memref_slice %arg8[%mul3A_2] : memref<16384xf32, #tpu.memory_space<hbm>> -> memref<512xf32, #tpu.memory_space<hbm>>
      tpu.enqueue_dma source(%arg15 : memref<512xf32, #tpu.memory_space<vmem>>) target(%dma_start3A_335 : memref<512xf32, #tpu.memory_space<hbm>>) target_semaphore(%run_scoped3A_333 : memref<!tpu.dma_semaphore, #tpu.memory_space<semaphore_mem>>)
      %dma_wait3A_336 = tpu.memref_slice %arg8[%mul3A_2] : memref<16384xf32, #tpu.memory_space<hbm>> -> memref<512xf32, #tpu.memory_space<hbm>>
      %dma_wait3A_337 = tpu.memref_slice %arg8[%mul3A_2] : memref<16384xf32, #tpu.memory_space<hbm>> -> memref<512xf32, #tpu.memory_space<hbm>>
      tpu.wait_dma2 semaphore(%run_scoped3A_333 : memref<!tpu.dma_semaphore, #tpu.memory_space<semaphore_mem>>) src(%arg15 : memref<512xf32, #tpu.memory_space<vmem>>) dst(%dma_wait3A_337 : memref<512xf32, #tpu.memory_space<hbm>>)
      tpu.yield
    }) : () -> ()
    return
  }
}

</mosaic_0001>

<sc_bundles>
// kernel: _run.3.cloned.1.call-start
scs
__scs_entry_jumppad:
0x0: {  	(pc) =	sbr.rel $0x88, $3  }
0x1: {  	(tag) =	ssettag $0x0;
	lr =	simm.s32 $0x1  }
0x2: {  	[smem:$0x3F9B] =	sst lr;
	_ =	strace $0xD0000000  }
0x3: {  	_ = 	snop  }
0x4: {  	_ = 	snop  }
0x5: {  	_ = 	snop  }
0x6: {  	_ = 	snop  }
0x7: {  	_ = 	snop  }
__scs_overlays_trampoline_lowered:
0x8: {  	[smem:$0x3FAA] =	sst s0  }
0x9: {  	[smem:$0x3FAB] =	sst s1  }
0xa: {  	[smem:$0x3FAC] =	sst s2  }
0xb: {  	[smem:$0x3FAD] =	sst s3  }
0xc: {  	[smem:$0x3FAE] =	sst s4  }
0xd: {  	[smem:$0x3FAF] =	sst s5  }
0xe: {  	[smem:$0x3FB0] =	sst s6  }
0xf: {  	[smem:$0x3FB1] =	sst s7  }
0x10: {  	[smem:$0x3FB2] =	sst s8  }
0x11: {  	[smem:$0x3FB3] =	sst s9;
	s0 =	simm.s32 @!p0 $0x0  }
0x12: {  	s1 =	sld [smem:$0x3F99];
	s0 =	simm.s32 @p0 $0x1  }
0x13: {  	[smem:$0x3FB4] =	sst s0;
	s0 =	simm.s32 @!p1 $0x0  }
0x14: {  	s2 =	sld [smem:$0x3F98];
	s0 =	simm.s32 @p1 $0x1  }
0x15: {  	[smem:$0x3FB5] =	sst s0;
	s0 =	simm.s32 @!p2 $0x0  }
0x16: {  	s3 =	sld [smem:$0x3FDB];
	s0 =	simm.s32 @p2 $0x1  }
0x17: {  	s4 =	simm.s32 $0x1BF5;
	[smem:$0x3FB7] =	sst s0  }
0x18: {  	s0 =	sld [smem:$0x3F9A];
	_ =	swait.ge [sflag:s4], $0x0  }
0x19: {  	s7 =	sld [smem:$0x3F9B]  }
0x1a: {  	s8 =	sadd.s32 $0xFFFFE003, lr  }
0x1b: {  	s9 =	sadd.s32 $0xFFFFFEF7, lr;
	s5 =	simm.s32 $0xFFFFFFFF;
	p2 =	slt.u32 s8, $0xFFFFF086  }
0x1c: {  	p1 =	slt.u32 s9, $0xF7A;
	s5 =	simm.s32 @!p2 $0x0  }
0x1d: {  	s5 =	simm.s32 @p1 $0x1;
	p0 =	seq.s32 s7, s2  }
0x1e: {  	s7 =	smul.u32 @!p0 $0xF7A, s2;
	p2 =	seq.s32 @!p0 s5, $0x0  }
0x1f: {  	s9 =	smul.u32 $0xF7A, s1;
	s8 =	simm.s32 @!p0 $0x1BF5;
	p2 =	por !p2, p0  }
0x20: {  	[sflag:s8] =	ssyncset.s32 @!p0 $0xFFFFF086;
	s6 =	sadd.s32 @!p0 s3, s7;
	s7 =	simm.s32 @!p0 $0x108  }
0x21: {  	s3 =	sadd.s32 s3, s9;
	s6 =	sadd.s32 @!p0 $0x88, s6;
	s7 =	simm.s32 @p2 $0x1082  }
0x22: {  	[simem:s7], [sflag:s8] =	dma.local @!p0 [hbm:s6], $0xF7A  }
0x23: {  	s9 =	sor.u32 $0xD0000000, s2;
	s6 =	simm.s32 $0x108;
	_ =	swait.ge @!p0 [sflag:s8], $0x0  }
0x24: {  	s3 =	sadd.s32 $0x88, s3;
	s6 =	simm.s32 @!p1 $0x1082;
	[sflag:s4] =	ssyncset.s32 $0xFFFFF086  }
0x25: {  	[simem:s6], [sflag:s4] =	dma.local [hbm:s3], $0xF7A  }
0x26: {  	[smem:$0x3F9B] =	sst s1;
	(tag) =	ssettag s2;
	_ =	strace s9  }
0x27: {  	s1 =	sld [smem:$0x3FAB]  }
0x28: {  	s2 =	sld [smem:$0x3FAC]  }
0x29: {  	s4 =	sld [smem:$0x3FAE]  }
0x2a: {  	p0 =	seq.s32 s5, $0x0;
	s5 =	sld [smem:$0x3FAF]  }
0x2b: {  	s6 =	sld [smem:$0x3FB0]  }
0x2c: {  	s7 =	sld [smem:$0x3FB1]  }
0x2d: {  	s3 =	simm.s32 $0x108;
	s8 =	sld [smem:$0x3FB2]  }
0x2e: {  	s3 =	simm.s32 @!p0 $0x1082;
	s9 =	sld [smem:$0x3FB3]  }
0x2f: {  	lr =	sadd.s32 s0, s3;
	s0 =	sld [smem:$0x3FAA]  }
0x30: {  	s3 =	sld [smem:$0x3FAD]  }
0x31: {  	[smem:$0x3FB6] =	sst s10  }
0x32: {  	s10 =	sld [smem:$0x3FB4];
	_ =	sdelay $0x3  }
0x33: {  	p0 =	seq.s32 s10, $0x1;
	s10 =	sld [smem:$0x3FB6];
	_ =	sdelay $0x3  }
0x34: {  	[smem:$0x3FB6] =	sst s10  }
0x35: {  	s10 =	sld [smem:$0x3FB5];
	_ =	sdelay $0x3  }
0x36: {  	p1 =	seq.s32 s10, $0x1;
	s10 =	sld [smem:$0x3FB6];
	_ =	sdelay $0x3  }
0x37: {  	[smem:$0x3FB6] =	sst s10  }
0x38: {  	s10 =	sld [smem:$0x3FB7]  }
0x39: {  	_ = 	snop;
	(pc) =	sbr.ind lr, $3  }
0x3a: {  	_ = 	snop  }
0x3b: {  	_ = 	snop  }
0x3c: {  	p2 =	seq.s32 s10, $0x1;
	s10 =	sld [smem:$0x3FB6]  }
0x3d: {  	_ =	shalt  }
0x3e: {  	_ =	shalt  }
0x3f: {  	_ =	shalt  }
0x40: {  	_ =	shalt  }
0x41: {  	_ =	shalt  }
0x42: {  	_ =	shalt  }
0x43: {  	_ =	shalt  }
0x44: {  	_ =	shalt  }
0x45: {  	_ =	shalt  }
0x46: {  	_ =	shalt  }
0x47: {  	_ =	shalt  }
0x48: {  	_ =	shalt  }
0x49: {  	_ =	shalt  }
0x4a: {  	_ =	shalt  }
0x4b: {  	_ =	shalt  }
0x4c: {  	_ =	shalt  }
0x4d: {  	_ =	shalt  }
0x4e: {  	_ =	shalt  }
0x4f: {  	_ =	shalt  }
0x50: {  	_ =	shalt  }
0x51: {  	_ =	shalt  }
0x52: {  	_ =	shalt  }
0x53: {  	_ =	shalt  }
0x54: {  	_ =	shalt  }
0x55: {  	_ =	shalt  }
0x56: {  	_ =	shalt  }
0x57: {  	_ =	shalt  }
0x58: {  	_ =	shalt  }
0x59: {  	_ =	shalt  }
0x5a: {  	_ =	shalt  }
0x5b: {  	_ =	shalt  }
0x5c: {  	_ =	shalt  }
0x5d: {  	_ =	shalt  }
0x5e: {  	_ =	shalt  }
0x5f: {  	_ =	shalt  }
0x60: {  	_ =	shalt  }
0x61: {  	_ =	shalt  }
0x62: {  	_ =	shalt  }
0x63: {  	_ =	shalt  }
0x64: {  	_ =	shalt  }
0x65: {  	_ =	shalt  }
0x66: {  	_ =	shalt  }
0x67: {  	_ =	shalt  }
0x68: {  	_ =	shalt  }
0x69: {  	_ =	shalt  }
0x6a: {  	_ =	shalt  }
0x6b: {  	_ =	shalt  }
0x6c: {  	_ =	shalt  }
0x6d: {  	_ =	shalt  }
0x6e: {  	_ =	shalt  }
0x6f: {  	_ =	shalt  }
0x70: {  	_ =	shalt  }
0x71: {  	_ =	shalt  }
0x72: {  	_ =	shalt  }
0x73: {  	_ =	shalt  }
0x74: {  	_ =	shalt  }
0x75: {  	_ =	shalt  }
0x76: {  	_ =	shalt  }
0x77: {  	_ =	shalt  }
0x78: {  	_ =	shalt  }
0x79: {  	_ =	shalt  }
0x7a: {  	_ =	shalt  }
0x7b: {  	_ =	shalt  }
0x7c: {  	_ =	shalt  }
0x7d: {  	_ =	shalt  }
0x7e: {  	_ =	shalt  }
0x7f: {  	_ =	shalt  }
0x80: {  	_ =	shalt  }
0x81: {  	_ =	shalt  }
0x82: {  	_ =	shalt  }
0x83: {  	_ =	shalt  }
0x84: {  	_ =	shalt  }
0x85: {  	_ =	shalt  }
0x86: {  	_ =	shalt  }
0x87: {  	_ =	shalt  }
.Lfunc_end0:
.L_simem_size_0:
called_computation_lowered:
.L_overlay_start_0:
0x88: {  	s2 =	sld [smem:$0x3FD9]  }
0x89: {  	s3 =	sld [smem:$0x3FFE];
	_ =	sdelay $0x1  }
0x8a: {  	s1 =	srdreg.scid  }
0x8b: {  	s0 =	sand.u32 $0x1, s1  }
0x8c: {  	s17 =	sshll.u32 s0, $0xA;
	s2 =	sadd.s32 s3, s2  }
0x8d: {  	s2 =	sadd.s32 s2, s17  }
0x8e: {  	[smem:$0x3FC2] =	sst s2  }
0x8f: {  	_ = 	snop  }
0x90: {  	s2 =	sld [smem:$0x3FC9]  }
0x91: {  	s18 =	sld [smem:$0x3FC8]  }
0x92: {  	s4 =	sld [smem:$0x3FC5]  }
0x93: {  	s5 =	sld [smem:$0x3FC4]  }
0x94: {  	s6 =	sld [smem:$0x3FD0];
	(tm) =	ssettm $0x1  }
0x95: {  	s7 =	sld [smem:$0x3FFB];
	_ =	sdelay $0x3  }
0x96: {  	_ =	strace s7  }
0x97: {  	s7 =	sld [smem:$0x3FFC];
	_ =	sdelay $0x3  }
0x98: {  	_ =	strace s7  }
0x99: {  	s7 =	sld [smem:$0x3FFD];
	_ =	sdelay $0x3  }
0x9a: {  	_ =	strace s7  }
0x9b: {  	_ =	strace $0x8FFFFFFF  }
0x9c: {  	s19 =	sld [smem:$0x3FDB];
	_ =	sdelay $0x1  }
0x9d: {  	s8 =	simm.s32 $_scs_section_size  }
0x9e: {  	s9 =	simm.s32 $_size__tile_overlayer_lowered;
	s10 =	simm.s32 $_tile_overlayer_lowered  }
0x9f: {  	s22 =	simm.s32 $0x1BFF;
	s21 =	sshll.u32 s10, $0x1;
	s7 =	sadd.s32 s8, s19  }
0xa0: {  	s11 =	simm.s32 $0x0;
	s20 =	sshll.u32 s9, $0x1;
	s9 =	sadd.s32 s21, s7  }
0xa1: {  	[timem:s11], [sflag:s22] =	dma.local [hbm:s9], s20  }
0xa2: {  	_ =	swait.ge [sflag:s22], s20  }
0xa3: {  	s8 =	ssub.s32 $0x0, s20;
	[sflag:s22] =	ssyncset.done $0x0  }
0xa4: {  	[sflag:s22] =	ssyncadd.s32 s8;
	_ =	sdelay $0x1  }
0xa5: {  	s23 =	simm.s32 $0x1B8B  }
0xa6: {  	_ =	swait.ge [sflag:s23], $0x1  }
0xa7: {  	[sflag:s23] =	ssyncset.done $0x0  }
0xa8: {  	s25 =	simm.s32 $0x1B8E;
	s24 =	sld [smem:$0x3FFE];
	[sflag:s23] =	ssyncadd.s32 $0xFFFFFFFF  }
0xa9: {  	s26 =	simm.s32 $execute0_lowered;
	[smem:$0x3FD2] =	sst s25  }
0xaa: {  	s9 =	sshll.u32 s26, $0x1;
	_ =	strace $0x80000046;
	[dreg:$0x1] =	wrdreg $0xFFFFFFFF  }
0xab: {  	s28 =	simm.s32 $_size_execute0_lowered;
	s7 =	sadd.s32 s7, s9;
	[dreg:$0x0] =	wrdreg $0x0  }
0xac: {  	s9 =	sshll.u32 s28, $0x1;
	[dreg:$0x2] =	wrdreg s7  }
0xad: {  	[dreg:$0x3] =	wrdreg s9  }
0xae: {  	[dreg:$0x4] =	wrdreg $0xC0  }
0xaf: {  	_ =	task [dreg:s11], $0x5FFFF  }
0xb0: {  	[dreg:$0x1] =	wrdreg $0xFFFFFFFF  }
0xb1: {  	[dreg:$0x0] =	wrdreg $0x60  }
0xb2: {  	[dreg:$0x2] =	wrdreg s2  }
0xb3: {  	[dreg:$0x3] =	wrdreg s18  }
0xb4: {  	[dreg:$0x4] =	wrdreg s24  }
0xb5: {  	[dreg:$0x5] =	wrdreg s4  }
0xb6: {  	[dreg:$0x6] =	wrdreg s5  }
0xb7: {  	[dreg:$0x7] =	wrdreg s6  }
0xb8: {  	[dreg:$0x8] =	wrdreg $0x9  }
0xb9: {  	_ =	task.clear_ibuf [dreg:s11], $0x9FFFF;
	_ =	strace $0x90000046  }
0xba: {  	s29 =	simm.s32 $0x9;
	_ =	strace $0x80000048  }
0xbb: {  	_ =	swait.ge [sflag:s29], $0x1  }
0xbc: {  	[sflag:s29] =	ssyncadd.s32 $0xFFFFFFFF  }
0xbd: {  	_ =	strace $0x90000048  }
0xbe: {  	_ =	sfence  }
0xbf: {  	s30 =	sld [smem:$0x0];
	_ =	sdelay $0x2  }
0xc0: {  	s31 =	sshll.u32 s1, $0xD;
	s1 =	sshrl.u32 s1, $0x2  }
0xc1: {  	s3 =	sand.u32 $0x4000, s31;
	s1 =	sadd.s32 s1, s30  }
0xc2: {  	s0 =	sor.u32 s3, s0;
	s1 =	sshll.u32 s1, $0x11  }
0xc3: {  	s0 =	sor.u32 s1, s0  }
0xc4: {  	s0 =	sadd.s32 $0x8F2B, s0  }
0xc5: {  	[sflag:s0] =	ssyncadd.remote.s32 $0x1  }
0xc6: {  	_ =	sfence.sel $0xFFFF  }
0xc7: {  	[dreg:$0x0] =	wrdreg $0xFFFFFFFF;
	(pc) =	sbr.abs _section_cstart, $3  }
0xc8: {  	[dreg:$0x1] =	wrdreg $0xFFFFFFFF  }
0xc9: {  	_ =	task.clear_ibuf [dreg:s11], $0x2FFFF;
	_ =	strace $0x9FFFFFFF  }
0xca: {  	(tm) =	ssettm $0x7FFFFFFF  }
0xcb: {  	_ =	shalt  }
tec
execute0_lowered:
.L_overlay_start_1:
0x0: {  	(tag) =	ssettag $0x1  }
0x1: {  	s0 =	rddreg [dreg:$0x0]  }
0x2: {  	s4 =	rddreg [dreg:$0x1]  }
0x3: {  	s6 =	rddreg [dreg:$0x2]  }
0x4: {  	s1 =	rddreg [dreg:$0x3]  }
0x5: {  	s2 =	rddreg [dreg:$0x4]  }
0x6: {  	s7 =	rddreg [dreg:$0x5];
	s3 =	simm.s32 $0x0;
	s8 =	srdreg.scid  }
0x7: {  	s10 =	stileid.u32;
	s17 =	simm.s32 $0x2;
	s18 =	simm.s32 $0x200  }
0x8: {  	s19 =	simm.s32 $0x80;
	s20 =	simm.s32 $0x280;
	s21 =	simm.s32 $0x100  }
0x9: {  	s22 =	simm.s32 $0x300;
	s23 =	simm.s32 $0x180;
	s24 =	simm.s32 $0x380  }
0xa: {  	s25 =	simm.s32 $0x400;
	s26 =	simm.s32 $0x4400;
	s28 =	simm.s32 $0x1  }
0xb: {  	s29 =	simm.s32 $0x8800;
	s30 =	simm.s32 $0x0;
	[smem:$0x7FF] =	sst s3  }
0xc: {  	s5 =	sadd.s32 $0xF42800, s6;
	s8 =	sand.u32 $0x1, s8;
	s10 =	sshll.u32 s10, $0x7  }
0xd: {  	s6 =	sadd.s32 $0x1313200, s6;
	s9 =	ssub.s32 $0x2, s8;
	s8 =	sshll.u32 s8, $0x6  }
0xe: {  	_ =	strace $0x80000047;
	s11 =	sshrl.u32 s9, $0x1;
	s15 =	sor.u32 s8, s10  }
0xf: {  	s16 =	ssub.s32 s9, s11;
	s8 =	sadd.s32 s0, s15;
	s10 =	sor.u32 $0x10, s15  }
0x10: {  	s12 =	sor.u32 $0x20, s15;
	s14 =	sor.u32 $0x30, s15;
	[dreg:$0x7] =	wrdreg s8  }
0x11: {  	s8 =	sadd.s32 s4, s15;
	s9 =	sadd.s32 s0, s10;
	s10 =	sadd.s32 s4, s10  }
0x12: {  	v0 =	vlaneseq.u32;
	s11 =	sadd.s32 s0, s12;
	s12 =	sadd.s32 s4, s12;
	s13 =	sadd.s32 s0, s14  }
0x13: {  	v0 =	vmul.u32 $0x20, v0;
	s14 =	sadd.s32 s4, s14;
	s15 =	sadd.s32 s7, s15;
	s16 =	smax.u32 s16, $0x1  }
.LBB2_1:
0x14: {  	s0 =	rddreg [dreg:$0x7]  }
0x15: {  	[tilespmem:s3], [sflag:$0x2] =	stream.linear.gather [hbm4b:s0+s3], $0x80, $0x38;
	[tilespmem:$0x8A00] =	vst v63  }
0x16: {  	_ =	swait.ge [sflag:s17], $0x80  }
0x17: {  	[sflag:s17] =	ssyncset.done $0x0  }
0x18: {  	[sflag:s17] =	ssyncadd.s32 $0xFFFFFF80  }
0x19: {  	[tilespmem:s18], [sflag:$0x2] =	stream.linear.gather [hbm4b:s8+s3], $0x80, $0x38;
	[tilespmem:$0x8A00] =	vst v63  }
0x1a: {  	_ =	swait.ge [sflag:s17], $0x80  }
0x1b: {  	[sflag:s17] =	ssyncset.done $0x0  }
0x1c: {  	[sflag:s17] =	ssyncadd.s32 $0xFFFFFF80  }
0x1d: {  	[tilespmem:s19], [sflag:$0x2] =	stream.linear.gather [hbm4b:s9+s3], $0x80, $0x38;
	[tilespmem:$0x8A00] =	vst v63  }
0x1e: {  	_ =	swait.ge [sflag:s17], $0x80  }
0x1f: {  	[sflag:s17] =	ssyncset.done $0x0  }
0x20: {  	[sflag:s17] =	ssyncadd.s32 $0xFFFFFF80  }
0x21: {  	[tilespmem:s20], [sflag:$0x2] =	stream.linear.gather [hbm4b:s10+s3], $0x80, $0x38;
	[tilespmem:$0x8A00] =	vst v63  }
0x22: {  	_ =	swait.ge [sflag:s17], $0x80  }
0x23: {  	[sflag:s17] =	ssyncset.done $0x0  }
0x24: {  	[sflag:s17] =	ssyncadd.s32 $0xFFFFFF80  }
0x25: {  	[tilespmem:s21], [sflag:$0x2] =	stream.linear.gather [hbm4b:s11+s3], $0x80, $0x38;
	[tilespmem:$0x8A00] =	vst v63  }
0x26: {  	_ =	swait.ge [sflag:s17], $0x80  }
0x27: {  	[sflag:s17] =	ssyncset.done $0x0  }
0x28: {  	[sflag:s17] =	ssyncadd.s32 $0xFFFFFF80  }
0x29: {  	[tilespmem:s22], [sflag:$0x2] =	stream.linear.gather [hbm4b:s12+s3], $0x80, $0x38;
	[tilespmem:$0x8A00] =	vst v63  }
0x2a: {  	_ =	swait.ge [sflag:s17], $0x80  }
0x2b: {  	[sflag:s17] =	ssyncset.done $0x0  }
0x2c: {  	[sflag:s17] =	ssyncadd.s32 $0xFFFFFF80  }
0x2d: {  	[tilespmem:s23], [sflag:$0x2] =	stream.linear.gather [hbm4b:s13+s3], $0x80, $0x38;
	[tilespmem:$0x8A00] =	vst v63  }
0x2e: {  	_ =	swait.ge [sflag:s17], $0x80  }
0x2f: {  	[sflag:s17] =	ssyncset.done $0x0  }
0x30: {  	[sflag:s17] =	ssyncadd.s32 $0xFFFFFF80  }
0x31: {  	[tilespmem:s24], [sflag:$0x2] =	stream.linear.gather [hbm4b:s14+s3], $0x80, $0x38;
	[tilespmem:$0x8A00] =	vst v63  }
0x32: {  	_ =	swait.ge [sflag:s17], $0x80  }
0x33: {  	[sflag:s17] =	ssyncset.done $0x0  }
0x34: {  	[sflag:s17] =	ssyncadd.s32 $0xFFFFFF80  }
0x35: {  	[tilespmem:s25], [sflag:$0x1] =	stream.indirect.gather [hbm4b:s5+s19], $0x20, s3, s19, $0xb8;
	[tilespmem:$0x8A00] =	vst v63  }
0x36: {  	_ = 	snop  }
0x37: {  	[tilespmem:s26], [sflag:$0x1] =	stream.indirect.gather [hbm4b:s6+s19], $0x20, s18, s19, $0xb8;
	[tilespmem:$0x8A00] =	vst v63  }
0x38: {  	s0 =	simm.s32 $0x8400  }
0x39: {  	[tilespmem:s0], [sflag:$0x1] =	stream.indirect.gather [hbm4b:s1+s19], $0x1, s3, s19, $0xb8;
	[tilespmem:$0x8A00] =	vst v63  }
0x3a: {  	s4 =	simm.s32 $0x8600  }
0x3b: {  	[tilespmem:s4], [sflag:$0x1] =	stream.indirect.gather [hbm4b:s2+s19], $0x1, s18, s19, $0xb8;
	[tilespmem:$0x8A00] =	vst v63  }
0x3c: {  	s7 =	simm.s32 $0x1400  }
0x3d: {  	[tilespmem:s7], [sflag:$0x1] =	stream.indirect.gather [hbm4b:s5+s19], $0x20, s19, s19, $0xb8;
	[tilespmem:$0x8A00] =	vst v63  }
0x3e: {  	s7 =	simm.s32 $0x5400  }
0x3f: {  	[tilespmem:s7], [sflag:$0x1] =	stream.indirect.gather [hbm4b:s6+s19], $0x20, s20, s19, $0xb8;
	[tilespmem:$0x8A00] =	vst v63  }
0x40: {  	s7 =	simm.s32 $0x8480  }
0x41: {  	[tilespmem:s7], [sflag:$0x1] =	stream.indirect.gather [hbm4b:s1+s19], $0x1, s19, s19, $0xb8;
	[tilespmem:$0x8A00] =	vst v63  }
0x42: {  	s7 =	simm.s32 $0x8680  }
0x43: {  	[tilespmem:s7], [sflag:$0x1] =	stream.indirect.gather [hbm4b:s2+s19], $0x1, s20, s19, $0xb8;
	[tilespmem:$0x8A00] =	vst v63  }
0x44: {  	s7 =	simm.s32 $0x2400  }
0x45: {  	[tilespmem:s7], [sflag:$0x1] =	stream.indirect.gather [hbm4b:s5+s19], $0x20, s21, s19, $0xb8;
	[tilespmem:$0x8A00] =	vst v63  }
0x46: {  	s7 =	simm.s32 $0x6400  }
0x47: {  	[tilespmem:s7], [sflag:$0x1] =	stream.indirect.gather [hbm4b:s6+s19], $0x20, s22, s19, $0xb8;
	[tilespmem:$0x8A00] =	vst v63  }
0x48: {  	s7 =	simm.s32 $0x8500  }
0x49: {  	[tilespmem:s7], [sflag:$0x1] =	stream.indirect.gather [hbm4b:s1+s19], $0x1, s21, s19, $0xb8;
	[tilespmem:$0x8A00] =	vst v63  }
0x4a: {  	s7 =	simm.s32 $0x8700  }
0x4b: {  	[tilespmem:s7], [sflag:$0x1] =	stream.indirect.gather [hbm4b:s2+s19], $0x1, s22, s19, $0xb8;
	[tilespmem:$0x8A00] =	vst v63  }
0x4c: {  	s7 =	simm.s32 $0x3400  }
0x4d: {  	[tilespmem:s7], [sflag:$0x1] =	stream.indirect.gather [hbm4b:s5+s19], $0x20, s23, s19, $0xb8;
	[tilespmem:$0x8A00] =	vst v63  }
0x4e: {  	s7 =	simm.s32 $0x7400  }
0x4f: {  	[tilespmem:s7], [sflag:$0x1] =	stream.indirect.gather [hbm4b:s6+s19], $0x20, s24, s19, $0xb8;
	[tilespmem:$0x8A00] =	vst v63  }
0x50: {  	s7 =	simm.s32 $0x8580  }
0x51: {  	[tilespmem:s7], [sflag:$0x1] =	stream.indirect.gather [hbm4b:s1+s19], $0x1, s23, s19, $0xb8;
	[tilespmem:$0x8A00] =	vst v63  }
0x52: {  	s7 =	simm.s32 $0x8780  }
0x53: {  	[tilespmem:s7], [sflag:$0x1] =	stream.indirect.gather [hbm4b:s2+s19], $0x1, s24, s19, $0xb8;
	[tilespmem:$0x8A00] =	vst v63  }
0x54: {  	_ =	swait.ge [sflag:s28], $0x1000  }
0x55: {  	[sflag:s28] =	ssyncset.done $0x0  }
0x56: {  	[sflag:s28] =	ssyncadd.s32 $0xFFFFF000  }
0x57: {  	_ =	swait.ge [sflag:s28], $0x1000  }
0x58: {  	[sflag:s28] =	ssyncset.done $0x0  }
0x59: {  	[sflag:s28] =	ssyncadd.s32 $0xFFFFF000  }
0x5a: {  	_ =	swait.ge [sflag:s28], $0x80  }
0x5b: {  	[sflag:s28] =	ssyncset.done $0x0  }
0x5c: {  	[sflag:s28] =	ssyncadd.s32 $0xFFFFFF80  }
0x5d: {  	_ =	swait.ge [sflag:s28], $0x80  }
0x5e: {  	[sflag:s28] =	ssyncset.done $0x0  }
0x5f: {  	[sflag:s28] =	ssyncadd.s32 $0xFFFFFF80  }
0x60: {  	_ =	swait.ge [sflag:s28], $0x1000  }
0x61: {  	[sflag:s28] =	ssyncset.done $0x0  }
0x62: {  	[sflag:s28] =	ssyncadd.s32 $0xFFFFF000  }
0x63: {  	_ =	swait.ge [sflag:s28], $0x1000  }
0x64: {  	[sflag:s28] =	ssyncset.done $0x0  }
0x65: {  	[sflag:s28] =	ssyncadd.s32 $0xFFFFF000  }
0x66: {  	_ =	swait.ge [sflag:s28], $0x80  }
0x67: {  	[sflag:s28] =	ssyncset.done $0x0  }
0x68: {  	[sflag:s28] =	ssyncadd.s32 $0xFFFFFF80  }
0x69: {  	_ =	swait.ge [sflag:s28], $0x80  }
0x6a: {  	[sflag:s28] =	ssyncset.done $0x0  }
0x6b: {  	[sflag:s28] =	ssyncadd.s32 $0xFFFFFF80  }
0x6c: {  	_ =	swait.ge [sflag:s28], $0x1000  }
0x6d: {  	[sflag:s28] =	ssyncset.done $0x0  }
0x6e: {  	[sflag:s28] =	ssyncadd.s32 $0xFFFFF000  }
0x6f: {  	_ =	swait.ge [sflag:s28], $0x1000  }
0x70: {  	[sflag:s28] =	ssyncset.done $0x0  }
0x71: {  	[sflag:s28] =	ssyncadd.s32 $0xFFFFF000  }
0x72: {  	_ =	swait.ge [sflag:s28], $0x80  }
0x73: {  	[sflag:s28] =	ssyncset.done $0x0  }
0x74: {  	[sflag:s28] =	ssyncadd.s32 $0xFFFFFF80  }
0x75: {  	_ =	swait.ge [sflag:s28], $0x80  }
0x76: {  	[sflag:s28] =	ssyncset.done $0x0  }
0x77: {  	[sflag:s28] =	ssyncadd.s32 $0xFFFFFF80  }
0x78: {  	_ =	swait.ge [sflag:s28], $0x1000  }
0x79: {  	[sflag:s28] =	ssyncset.done $0x0  }
0x7a: {  	[sflag:s28] =	ssyncadd.s32 $0xFFFFF000  }
0x7b: {  	_ =	swait.ge [sflag:s28], $0x1000  }
0x7c: {  	[sflag:s28] =	ssyncset.done $0x0  }
0x7d: {  	[sflag:s28] =	ssyncadd.s32 $0xFFFFF000  }
0x7e: {  	v1 =	vmov s3;
	_ =	swait.ge [sflag:s28], $0x80  }
0x7f: {  	v1 =	vshll.u32 v1, $0x5;
	[sflag:s28] =	ssyncset.done $0x0  }
0x80: {  	v1 =	vor.u32 v0, v1;
	[sflag:s28] =	ssyncadd.s32 $0xFFFFFF80  }
0x81: {  	_ =	swait.ge [sflag:s28], $0x80  }
0x82: {  	[sflag:s28] =	ssyncset.done $0x0  }
0x83: {  	v2 =	vor.u32 $0x1, v1;
	[sflag:s28] =	ssyncadd.s32 $0xFFFFFF80  }
0x84: {  	v3 =	vld [tilespmem:s4+$0x0]  }
0x85: {  	v4 =	vor.u32 $0x2, v1;
	v5 =	vld.idx.msk [tilespmem:v1+s25+$0x0], $0xffff  }
0x86: {  	v6 =	vld.idx.msk [tilespmem:v1+s26+$0x0], $0xffff  }
0x87: {  	v7 =	vor.u32 $0x3, v1;
	v8 =	vld [tilespmem:s0+$0x0]  }
0x88: {  	v9 =	vld.idx.msk [tilespmem:v2+s25+$0x0], $0xffff  }
0x89: {  	v10 =	vor.u32 $0x4, v1;
	v2 =	vld.idx.msk [tilespmem:v2+s26+$0x0], $0xffff  }
0x8a: {  	v11 =	vld.idx.msk [tilespmem:v4+s25+$0x0], $0xffff  }
0x8b: {  	v12 =	vor.u32 $0x5, v1;
	v4 =	vld.idx.msk [tilespmem:v4+s26+$0x0], $0xffff  }
0x8c: {  	v13 =	vld.idx.msk [tilespmem:v7+s25+$0x0], $0xffff;
	v3 =	vadd.f32 v3, v8;
	v5 =	vmul.f32 v6, v5  }
0x8d: {  	v6 =	vld.idx.msk [tilespmem:v7+s26+$0x0], $0xffff;
	v7 =	vor.u32 $0x6, v1  }
0x8e: {  	v20 =	vld.idx.msk [tilespmem:v10+s25+$0x0], $0xffff;
	v2 =	vmul.f32 v2, v9;
	v3 =	vadd.f32 v5, v3  }
0x8f: {  	v21 =	vor.u32 $0x7, v1;
	v5 =	vld.idx.msk [tilespmem:v10+s26+$0x0], $0xffff  }
0x90: {  	v22 =	vld.idx.msk [tilespmem:v12+s25+$0x0], $0xffff;
	v2 =	vadd.f32 v2, v3;
	v3 =	vmul.f32 v4, v11  }
0x91: {  	v23 =	vor.u32 $0x8, v1;
	v4 =	vld.idx.msk [tilespmem:v12+s26+$0x0], $0xffff  }
0x92: {  	v24 =	vld.idx.msk [tilespmem:v7+s25+$0x0], $0xffff;
	v2 =	vadd.f32 v3, v2;
	v3 =	vmul.f32 v6, v13  }
0x93: {  	v6 =	vld.idx.msk [tilespmem:v7+s26+$0x0], $0xffff;
	v7 =	vor.u32 $0x9, v1  }
0x94: {  	v25 =	vld.idx.msk [tilespmem:v21+s25+$0x0], $0xffff;
	v2 =	vadd.f32 v3, v2;
	v3 =	vmul.f32 v5, v20  }
0x95: {  	v26 =	vor.u32 $0xA, v1;
	v5 =	vld.idx.msk [tilespmem:v21+s26+$0x0], $0xffff  }
0x96: {  	v27 =	vld.idx.msk [tilespmem:v23+s25+$0x0], $0xffff;
	v2 =	vadd.f32 v3, v2;
	v3 =	vmul.f32 v4, v22  }
0x97: {  	v28 =	vor.u32 $0xB, v1;
	v4 =	vld.idx.msk [tilespmem:v23+s26+$0x0], $0xffff  }
0x98: {  	v29 =	vld.idx.msk [tilespmem:v7+s25+$0x0], $0xffff;
	v2 =	vadd.f32 v3, v2;
	v3 =	vmul.f32 v6, v24  }
0x99: {  	v6 =	vld.idx.msk [tilespmem:v7+s26+$0x0], $0xffff;
	v7 =	vor.u32 $0xC, v1  }
0x9a: {  	v30 =	vld.idx.msk [tilespmem:v26+s25+$0x0], $0xffff;
	v2 =	vadd.f32 v3, v2;
	v3 =	vmul.f32 v5, v25  }
0x9b: {  	v31 =	vor.u32 $0xD, v1;
	v5 =	vld.idx.msk [tilespmem:v26+s26+$0x0], $0xffff  }
0x9c: {  	v32 =	vld.idx.msk [tilespmem:v28+s25+$0x0], $0xffff;
	v2 =	vadd.f32 v3, v2;
	v3 =	vmul.f32 v4, v27  }
0x9d: {  	v33 =	vor.u32 $0xE, v1;
	v4 =	vld.idx.msk [tilespmem:v28+s26+$0x0], $0xffff  }
0x9e: {  	v34 =	vld.idx.msk [tilespmem:v7+s25+$0x0], $0xffff;
	v2 =	vadd.f32 v3, v2;
	v3 =	vmul.f32 v6, v29  }
0x9f: {  	v6 =	vld.idx.msk [tilespmem:v7+s26+$0x0], $0xffff;
	v7 =	vor.u32 $0xF, v1  }
0xa0: {  	v35 =	vld.idx.msk [tilespmem:v31+s25+$0x0], $0xffff;
	v2 =	vadd.f32 v3, v2;
	v3 =	vmul.f32 v5, v30  }
0xa1: {  	v36 =	vor.u32 $0x10, v1;
	v5 =	vld.idx.msk [tilespmem:v31+s26+$0x0], $0xffff  }
0xa2: {  	v37 =	vld.idx.msk [tilespmem:v33+s25+$0x0], $0xffff;
	v2 =	vadd.f32 v3, v2;
	v3 =	vmul.f32 v4, v32  }
0xa3: {  	v38 =	vor.u32 $0x11, v1;
	v4 =	vld.idx.msk [tilespmem:v33+s26+$0x0], $0xffff  }
0xa4: {  	v39 =	vld.idx.msk [tilespmem:v7+s25+$0x0], $0xffff;
	v2 =	vadd.f32 v3, v2;
	v3 =	vmul.f32 v6, v34  }
0xa5: {  	v6 =	vld.idx.msk [tilespmem:v7+s26+$0x0], $0xffff;
	v7 =	vor.u32 $0x12, v1  }
0xa6: {  	v40 =	vld.idx.msk [tilespmem:v36+s25+$0x0], $0xffff;
	v2 =	vadd.f32 v3, v2;
	v3 =	vmul.f32 v5, v35  }
0xa7: {  	v41 =	vor.u32 $0x13, v1;
	v5 =	vld.idx.msk [tilespmem:v36+s26+$0x0], $0xffff  }
0xa8: {  	v42 =	vld.idx.msk [tilespmem:v38+s25+$0x0], $0xffff;
	v2 =	vadd.f32 v3, v2;
	v3 =	vmul.f32 v4, v37  }
0xa9: {  	v43 =	vor.u32 $0x14, v1;
	v4 =	vld.idx.msk [tilespmem:v38+s26+$0x0], $0xffff  }
0xaa: {  	v44 =	vld.idx.msk [tilespmem:v7+s25+$0x0], $0xffff;
	v2 =	vadd.f32 v3, v2;
	v3 =	vmul.f32 v6, v39  }
0xab: {  	v6 =	vld.idx.msk [tilespmem:v7+s26+$0x0], $0xffff;
	v7 =	vor.u32 $0x15, v1  }
0xac: {  	v45 =	vld.idx.msk [tilespmem:v41+s25+$0x0], $0xffff;
	v2 =	vadd.f32 v3, v2;
	v3 =	vmul.f32 v5, v40  }
0xad: {  	v46 =	vor.u32 $0x16, v1;
	v5 =	vld.idx.msk [tilespmem:v41+s26+$0x0], $0xffff  }
0xae: {  	v47 =	vld.idx.msk [tilespmem:v43+s25+$0x0], $0xffff;
	v2 =	vadd.f32 v3, v2;
	v3 =	vmul.f32 v4, v42  }
0xaf: {  	v48 =	vor.u32 $0x17, v1;
	v4 =	vld.idx.msk [tilespmem:v43+s26+$0x0], $0xffff  }
0xb0: {  	v49 =	vld.idx.msk [tilespmem:v7+s25+$0x0], $0xffff;
	v2 =	vadd.f32 v3, v2;
	v3 =	vmul.f32 v6, v44  }
0xb1: {  	v6 =	vld.idx.msk [tilespmem:v7+s26+$0x0], $0xffff;
	v7 =	vor.u32 $0x18, v1  }
0xb2: {  	v50 =	vld.idx.msk [tilespmem:v46+s25+$0x0], $0xffff;
	v2 =	vadd.f32 v3, v2;
	v3 =	vmul.f32 v5, v45  }
0xb3: {  	v51 =	vor.u32 $0x19, v1;
	v5 =	vld.idx.msk [tilespmem:v46+s26+$0x0], $0xffff  }
0xb4: {  	v52 =	vld.idx.msk [tilespmem:v48+s25+$0x0], $0xffff;
	v2 =	vadd.f32 v3, v2;
	v3 =	vmul.f32 v4, v47  }
0xb5: {  	v53 =	vor.u32 $0x1A, v1;
	v4 =	vld.idx.msk [tilespmem:v48+s26+$0x0], $0xffff  }
0xb6: {  	v54 =	vld.idx.msk [tilespmem:v7+s25+$0x0], $0xffff;
	v2 =	vadd.f32 v3, v2;
	v3 =	vmul.f32 v6, v49  }
0xb7: {  	v6 =	vld.idx.msk [tilespmem:v7+s26+$0x0], $0xffff;
	v7 =	vor.u32 $0x1B, v1  }
0xb8: {  	v55 =	vld.idx.msk [tilespmem:v51+s25+$0x0], $0xffff;
	v2 =	vadd.f32 v3, v2;
	v3 =	vmul.f32 v5, v50  }
0xb9: {  	v56 =	vor.u32 $0x1C, v1;
	v5 =	vld.idx.msk [tilespmem:v51+s26+$0x0], $0xffff  }
0xba: {  	v57 =	vld.idx.msk [tilespmem:v53+s25+$0x0], $0xffff;
	v2 =	vadd.f32 v3, v2;
	v3 =	vmul.f32 v4, v52  }
0xbb: {  	v58 =	vor.u32 $0x1D, v1;
	v4 =	vld.idx.msk [tilespmem:v53+s26+$0x0], $0xffff  }
0xbc: {  	v59 =	vld.idx.msk [tilespmem:v7+s25+$0x0], $0xffff;
	v2 =	vadd.f32 v3, v2;
	v3 =	vmul.f32 v6, v54  }
0xbd: {  	v6 =	vld.idx.msk [tilespmem:v7+s26+$0x0], $0xffff;
	v7 =	vor.u32 $0x1E, v1  }
0xbe: {  	v60 =	vld.idx.msk [tilespmem:v56+s25+$0x0], $0xffff;
	v2 =	vadd.f32 v3, v2;
	v3 =	vmul.f32 v5, v55  }
0xbf: {  	v1 =	vor.u32 $0x1F, v1;
	v5 =	vld.idx.msk [tilespmem:v56+s26+$0x0], $0xffff  }
0xc0: {  	v61 =	vld.idx.msk [tilespmem:v58+s25+$0x0], $0xffff;
	v2 =	vadd.f32 v3, v2;
	v3 =	vmul.f32 v4, v57  }
0xc1: {  	v4 =	vld.idx.msk [tilespmem:v58+s26+$0x0], $0xffff  }
0xc2: {  	v62 =	vld.idx.msk [tilespmem:v7+s25+$0x0], $0xffff;
	v2 =	vadd.f32 v3, v2;
	v3 =	vmul.f32 v6, v59  }
0xc3: {  	v6 =	vld.idx.msk [tilespmem:v7+s26+$0x0], $0xffff  }
0xc4: {  	v7 =	vld.idx.msk [tilespmem:v1+s25+$0x0], $0xffff;
	v2 =	vadd.f32 v3, v2;
	v3 =	vmul.f32 v5, v60  }
0xc5: {  	v1 =	vld.idx.msk [tilespmem:v1+s26+$0x0], $0xffff  }
0xc6: {  	v2 =	vadd.f32 v3, v2;
	v3 =	vmul.f32 v4, v61;
	_ =	sdelay $0x1  }
0xc7: {  	s4 =	simm.s32 $0x10;
	v2 =	vadd.f32 v3, v2;
	v3 =	vmul.f32 v6, v62  }
0xc8: {  	v4 =	vmov s4  }
0xc9: {  	v4 =	vshll.u32 v4, $0x5;
	v2 =	vadd.f32 v3, v2;
	v3 =	vmul.f32 v1, v7  }
0xca: {  	v1 =	vor.u32 v0, v4  }
0xcb: {  	v2 =	vadd.f32 v3, v2;
	_ =	sdelay $0x1  }
0xcc: {  	s31 =	simm.s32 $0x8610;
	v3 =	vor.u32 $0x1, v1;
	[tilespmem:s29+$0x0] =	vst v2  }
0xcd: {  	v2 =	vld [tilespmem:s31+$0x0]  }
0xce: {  	v4 =	vor.u32 $0x2, v1;
	v5 =	vld.idx.msk [tilespmem:v1+s25+$0x0], $0xffff  }
0xcf: {  	s0 =	simm.s32 $0x8410;
	v6 =	vld.idx.msk [tilespmem:v1+s26+$0x0], $0xffff  }
0xd0: {  	v7 =	vor.u32 $0x3, v1;
	v63 =	vld [tilespmem:s0+$0x0]  }
0xd1: {  	v16 =	vld.idx.msk [tilespmem:v3+s25+$0x0], $0xffff  }
0xd2: {  	v17 =	vor.u32 $0x4, v1;
	v3 =	vld.idx.msk [tilespmem:v3+s26+$0x0], $0xffff  }
0xd3: {  	v18 =	vld.idx.msk [tilespmem:v4+s25+$0x0], $0xffff  }
0xd4: {  	v19 =	vor.u32 $0x5, v1;
	v4 =	vld.idx.msk [tilespmem:v4+s26+$0x0], $0xffff  }
0xd5: {  	v20 =	vld.idx.msk [tilespmem:v7+s25+$0x0], $0xffff;
	v2 =	vadd.f32 v2, v63;
	v5 =	vmul.f32 v6, v5  }
0xd6: {  	v6 =	vld.idx.msk [tilespmem:v7+s26+$0x0], $0xffff;
	v7 =	vor.u32 $0x6, v1  }
0xd7: {  	v21 =	vld.idx.msk [tilespmem:v17+s25+$0x0], $0xffff;
	v2 =	vadd.f32 v5, v2;
	v3 =	vmul.f32 v3, v16  }
0xd8: {  	v22 =	vor.u32 $0x7, v1;
	v5 =	vld.idx.msk [tilespmem:v17+s26+$0x0], $0xffff  }
0xd9: {  	v23 =	vld.idx.msk [tilespmem:v19+s25+$0x0], $0xffff;
	v2 =	vadd.f32 v3, v2;
	v3 =	vmul.f32 v4, v18  }
0xda: {  	v24 =	vor.u32 $0x8, v1;
	v4 =	vld.idx.msk [tilespmem:v19+s26+$0x0], $0xffff  }
0xdb: {  	v25 =	vld.idx.msk [tilespmem:v7+s25+$0x0], $0xffff;
	v2 =	vadd.f32 v3, v2;
	v3 =	vmul.f32 v6, v20  }
0xdc: {  	v6 =	vld.idx.msk [tilespmem:v7+s26+$0x0], $0xffff;
	v7 =	vor.u32 $0x9, v1  }
0xdd: {  	v26 =	vld.idx.msk [tilespmem:v22+s25+$0x0], $0xffff;
	v2 =	vadd.f32 v3, v2;
	v3 =	vmul.f32 v5, v21  }
0xde: {  	v27 =	vor.u32 $0xA, v1;
	v5 =	vld.idx.msk [tilespmem:v22+s26+$0x0], $0xffff  }
0xdf: {  	v28 =	vld.idx.msk [tilespmem:v24+s25+$0x0], $0xffff;
	v2 =	vadd.f32 v3, v2;
	v3 =	vmul.f32 v4, v23  }
0xe0: {  	v29 =	vor.u32 $0xB, v1;
	v4 =	vld.idx.msk [tilespmem:v24+s26+$0x0], $0xffff  }
0xe1: {  	v30 =	vld.idx.msk [tilespmem:v7+s25+$0x0], $0xffff;
	v2 =	vadd.f32 v3, v2;
	v3 =	vmul.f32 v6, v25  }
0xe2: {  	v6 =	vld.idx.msk [tilespmem:v7+s26+$0x0], $0xffff;
	v7 =	vor.u32 $0xC, v1  }
0xe3: {  	v31 =	vld.idx.msk [tilespmem:v27+s25+$0x0], $0xffff;
	v2 =	vadd.f32 v3, v2;
	v3 =	vmul.f32 v5, v26  }
0xe4: {  	v32 =	vor.u32 $0xD, v1;
	v5 =	vld.idx.msk [tilespmem:v27+s26+$0x0], $0xffff  }
0xe5: {  	v33 =	vld.idx.msk [tilespmem:v29+s25+$0x0], $0xffff;
	v2 =	vadd.f32 v3, v2;
	v3 =	vmul.f32 v4, v28  }
0xe6: {  	v34 =	vor.u32 $0xE, v1;
	v4 =	vld.idx.msk [tilespmem:v29+s26+$0x0], $0xffff  }
0xe7: {  	v35 =	vld.idx.msk [tilespmem:v7+s25+$0x0], $0xffff;
	v2 =	vadd.f32 v3, v2;
	v3 =	vmul.f32 v6, v30  }
0xe8: {  	v6 =	vld.idx.msk [tilespmem:v7+s26+$0x0], $0xffff;
	v7 =	vor.u32 $0xF, v1  }
0xe9: {  	v36 =	vld.idx.msk [tilespmem:v32+s25+$0x0], $0xffff;
	v2 =	vadd.f32 v3, v2;
	v3 =	vmul.f32 v5, v31  }
0xea: {  	v37 =	vor.u32 $0x10, v1;
	v5 =	vld.idx.msk [tilespmem:v32+s26+$0x0], $0xffff  }
0xeb: {  	v38 =	vld.idx.msk [tilespmem:v34+s25+$0x0], $0xffff;
	v2 =	vadd.f32 v3, v2;
	v3 =	vmul.f32 v4, v33  }
0xec: {  	v39 =	vor.u32 $0x11, v1;
	v4 =	vld.idx.msk [tilespmem:v34+s26+$0x0], $0xffff  }
0xed: {  	v40 =	vld.idx.msk [tilespmem:v7+s25+$0x0], $0xffff;
	v2 =	vadd.f32 v3, v2;
	v3 =	vmul.f32 v6, v35  }
0xee: {  	v6 =	vld.idx.msk [tilespmem:v7+s26+$0x0], $0xffff;
	v7 =	vor.u32 $0x12, v1  }
0xef: {  	v41 =	vld.idx.msk [tilespmem:v37+s25+$0x0], $0xffff;
	v2 =	vadd.f32 v3, v2;
	v3 =	vmul.f32 v5, v36  }
0xf0: {  	v42 =	vor.u32 $0x13, v1;
	v5 =	vld.idx.msk [tilespmem:v37+s26+$0x0], $0xffff  }
0xf1: {  	v43 =	vld.idx.msk [tilespmem:v39+s25+$0x0], $0xffff;
	v2 =	vadd.f32 v3, v2;
	v3 =	vmul.f32 v4, v38  }
0xf2: {  	v44 =	vor.u32 $0x14, v1;
	v4 =	vld.idx.msk [tilespmem:v39+s26+$0x0], $0xffff  }
0xf3: {  	v45 =	vld.idx.msk [tilespmem:v7+s25+$0x0], $0xffff;
	v2 =	vadd.f32 v3, v2;
	v3 =	vmul.f32 v6, v40  }
0xf4: {  	v6 =	vld.idx.msk [tilespmem:v7+s26+$0x0], $0xffff;
	v7 =	vor.u32 $0x15, v1  }
0xf5: {  	v46 =	vld.idx.msk [tilespmem:v42+s25+$0x0], $0xffff;
	v2 =	vadd.f32 v3, v2;
	v3 =	vmul.f32 v5, v41  }
0xf6: {  	v47 =	vor.u32 $0x16, v1;
	v5 =	vld.idx.msk [tilespmem:v42+s26+$0x0], $0xffff  }
0xf7: {  	v48 =	vld.idx.msk [tilespmem:v44+s25+$0x0], $0xffff;
	v2 =	vadd.f32 v3, v2;
	v3 =	vmul.f32 v4, v43  }
0xf8: {  	v49 =	vor.u32 $0x17, v1;
	v4 =	vld.idx.msk [tilespmem:v44+s26+$0x0], $0xffff  }
0xf9: {  	v50 =	vld.idx.msk [tilespmem:v7+s25+$0x0], $0xffff;
	v2 =	vadd.f32 v3, v2;
	v3 =	vmul.f32 v6, v45  }
0xfa: {  	v6 =	vld.idx.msk [tilespmem:v7+s26+$0x0], $0xffff;
	v7 =	vor.u32 $0x18, v1  }
0xfb: {  	v51 =	vld.idx.msk [tilespmem:v47+s25+$0x0], $0xffff;
	v2 =	vadd.f32 v3, v2;
	v3 =	vmul.f32 v5, v46  }
0xfc: {  	v52 =	vor.u32 $0x19, v1;
	v5 =	vld.idx.msk [tilespmem:v47+s26+$0x0], $0xffff  }
0xfd: {  	v53 =	vld.idx.msk [tilespmem:v49+s25+$0x0], $0xffff;
	v2 =	vadd.f32 v3, v2;
	v3 =	vmul.f32 v4, v48  }
0xfe: {  	v54 =	vor.u32 $0x1A, v1;
	v4 =	vld.idx.msk [tilespmem:v49+s26+$0x0], $0xffff  }
0xff: {  	v55 =	vld.idx.msk [tilespmem:v7+s25+$0x0], $0xffff;
	v2 =	vadd.f32 v3, v2;
	v3 =	vmul.f32 v6, v50  }
0x100: {  	v6 =	vld.idx.msk [tilespmem:v7+s26+$0x0], $0xffff;
	v7 =	vor.u32 $0x1B, v1  }
0x101: {  	v56 =	vld.idx.msk [tilespmem:v52+s25+$0x0], $0xffff;
	v2 =	vadd.f32 v3, v2;
	v3 =	vmul.f32 v5, v51  }
0x102: {  	v57 =	vor.u32 $0x1C, v1;
	v5 =	vld.idx.msk [tilespmem:v52+s26+$0x0], $0xffff  }
0x103: {  	v58 =	vld.idx.msk [tilespmem:v54+s25+$0x0], $0xffff;
	v2 =	vadd.f32 v3, v2;
	v3 =	vmul.f32 v4, v53  }
0x104: {  	v59 =	vor.u32 $0x1D, v1;
	v4 =	vld.idx.msk [tilespmem:v54+s26+$0x0], $0xffff  }
0x105: {  	v60 =	vld.idx.msk [tilespmem:v7+s25+$0x0], $0xffff;
	v2 =	vadd.f32 v3, v2;
	v3 =	vmul.f32 v6, v55  }
0x106: {  	v6 =	vld.idx.msk [tilespmem:v7+s26+$0x0], $0xffff;
	v7 =	vor.u32 $0x1E, v1  }
0x107: {  	v61 =	vld.idx.msk [tilespmem:v57+s25+$0x0], $0xffff;
	v2 =	vadd.f32 v3, v2;
	v3 =	vmul.f32 v5, v56  }
0x108: {  	v1 =	vor.u32 $0x1F, v1;
	v5 =	vld.idx.msk [tilespmem:v57+s26+$0x0], $0xffff  }
0x109: {  	v62 =	vld.idx.msk [tilespmem:v59+s25+$0x0], $0xffff;
	v2 =	vadd.f32 v3, v2;
	v3 =	vmul.f32 v4, v58  }
0x10a: {  	v4 =	vld.idx.msk [tilespmem:v59+s26+$0x0], $0xffff  }
0x10b: {  	v63 =	vld.idx.msk [tilespmem:v7+s25+$0x0], $0xffff;
	v2 =	vadd.f32 v3, v2;
	v3 =	vmul.f32 v6, v60  }
0x10c: {  	v6 =	vld.idx.msk [tilespmem:v7+s26+$0x0], $0xffff  }
0x10d: {  	v7 =	vld.idx.msk [tilespmem:v1+s25+$0x0], $0xffff;
	v2 =	vadd.f32 v3, v2;
	v3 =	vmul.f32 v5, v61  }
0x10e: {  	v5 =	vld.idx.msk [tilespmem:v1+s26+$0x0], $0xffff  }
0x10f: {  	s7 =	simm.s32 $0x20;
	v1 =	vadd.f32 v3, v2;
	v2 =	vmul.f32 v4, v62  }
0x110: {  	v3 =	vmov s7  }
0x111: {  	v3 =	vshll.u32 v3, $0x5;
	v6 =	vmul.f32 v6, v63;
	v4 =	vadd.f32 v2, v1  }
0x112: {  	v1 =	vor.u32 v0, v3  }
0x113: {  	v2 =	vor.u32 $0x1, v1;
	v3 =	vadd.f32 v6, v4;
	v4 =	vmul.f32 v5, v7  }
0x114: {  	s4 =	simm.s32 $0x8800;
	s7 =	simm.s32 $0x30  }
.LBB2_2:
0x115: {  	p0 =	sne.s32 s7, $0x1F0;
	v3 =	vadd.f32 v4, v3  }
0x116: {  	s4 =	sadd.s32 $0x10, s4  }
0x117: {  	[tilespmem:s4+$0x0] =	vst v3  }
0x118: {  	s31 =	sadd.s32 $0x10, s31;
	v3 =	vld.idx.msk [tilespmem:v2+s25+$0x0], $0xffff  }
0x119: {  	v5 =	vor.u32 $0x2, v1;
	v4 =	vld [tilespmem:s31+$0x0]  }
0x11a: {  	v6 =	vld.idx.msk [tilespmem:v1+s25+$0x0], $0xffff  }
0x11b: {  	v8 =	vor.u32 $0x3, v1;
	s0 =	sadd.s32 $0x10, s0;
	v7 =	vld.idx.msk [tilespmem:v1+s26+$0x0], $0xffff  }
0x11c: {  	v9 =	vld [tilespmem:s0+$0x0]  }
0x11d: {  	v10 =	vor.u32 $0x4, v1;
	v2 =	vld.idx.msk [tilespmem:v2+s26+$0x0], $0xffff  }
0x11e: {  	v11 =	vld.idx.msk [tilespmem:v5+s25+$0x0], $0xffff  }
0x11f: {  	v12 =	vor.u32 $0x5, v1;
	v5 =	vld.idx.msk [tilespmem:v5+s26+$0x0], $0xffff  }
0x120: {  	v13 =	vld.idx.msk [tilespmem:v8+s25+$0x0], $0xffff  }
0x121: {  	v6 =	vmul.f32 v7, v6;
	v4 =	vadd.f32 v4, v9;
	v7 =	vld.idx.msk [tilespmem:v8+s26+$0x0], $0xffff;
	v8 =	vor.u32 $0x6, v1  }
0x122: {  	v9 =	vld.idx.msk [tilespmem:v10+s25+$0x0], $0xffff  }
0x123: {  	v2 =	vmul.f32 v2, v3;
	v4 =	vadd.f32 v6, v4;
	v3 =	vld.idx.msk [tilespmem:v10+s26+$0x0], $0xffff;
	v6 =	vor.u32 $0x7, v1  }
0x124: {  	v10 =	vld.idx.msk [tilespmem:v12+s25+$0x0], $0xffff  }
0x125: {  	v2 =	vadd.f32 v2, v4;
	v4 =	vmul.f32 v5, v11;
	v5 =	vld.idx.msk [tilespmem:v12+s26+$0x0], $0xffff;
	v11 =	vor.u32 $0x8, v1  }
0x126: {  	v12 =	vld.idx.msk [tilespmem:v8+s25+$0x0], $0xffff  }
0x127: {  	v2 =	vadd.f32 v4, v2;
	v4 =	vmul.f32 v7, v13;
	v7 =	vld.idx.msk [tilespmem:v8+s26+$0x0], $0xffff;
	v8 =	vor.u32 $0x9, v1  }
0x128: {  	v13 =	vld.idx.msk [tilespmem:v6+s25+$0x0], $0xffff  }
0x129: {  	v3 =	vmul.f32 v3, v9;
	v2 =	vadd.f32 v4, v2;
	v4 =	vld.idx.msk [tilespmem:v6+s26+$0x0], $0xffff;
	v6 =	vor.u32 $0xA, v1  }
0x12a: {  	v9 =	vld.idx.msk [tilespmem:v11+s25+$0x0], $0xffff  }
0x12b: {  	v2 =	vadd.f32 v3, v2;
	v3 =	vmul.f32 v5, v10;
	v5 =	vld.idx.msk [tilespmem:v11+s26+$0x0], $0xffff;
	v10 =	vor.u32 $0xB, v1  }
0x12c: {  	v11 =	vld.idx.msk [tilespmem:v8+s25+$0x0], $0xffff  }
0x12d: {  	v2 =	vadd.f32 v3, v2;
	v3 =	vmul.f32 v7, v12;
	v7 =	vld.idx.msk [tilespmem:v8+s26+$0x0], $0xffff;
	v8 =	vor.u32 $0xC, v1  }
0x12e: {  	v12 =	vld.idx.msk [tilespmem:v6+s25+$0x0], $0xffff  }
0x12f: {  	v2 =	vadd.f32 v3, v2;
	v3 =	vmul.f32 v4, v13;
	v4 =	vld.idx.msk [tilespmem:v6+s26+$0x0], $0xffff;
	v6 =	vor.u32 $0xD, v1  }
0x130: {  	v13 =	vld.idx.msk [tilespmem:v10+s25+$0x0], $0xffff  }
0x131: {  	v2 =	vadd.f32 v3, v2;
	v3 =	vmul.f32 v5, v9;
	v5 =	vld.idx.msk [tilespmem:v10+s26+$0x0], $0xffff;
	v9 =	vor.u32 $0xE, v1  }
0x132: {  	v10 =	vld.idx.msk [tilespmem:v8+s25+$0x0], $0xffff  }
0x133: {  	v2 =	vadd.f32 v3, v2;
	v3 =	vmul.f32 v7, v11;
	v7 =	vld.idx.msk [tilespmem:v8+s26+$0x0], $0xffff;
	v8 =	vor.u32 $0xF, v1  }
0x134: {  	v11 =	vld.idx.msk [tilespmem:v6+s25+$0x0], $0xffff  }
0x135: {  	v2 =	vadd.f32 v3, v2;
	v3 =	vmul.f32 v4, v12;
	v4 =	vld.idx.msk [tilespmem:v6+s26+$0x0], $0xffff;
	v6 =	vor.u32 $0x10, v1  }
0x136: {  	v12 =	vld.idx.msk [tilespmem:v9+s25+$0x0], $0xffff  }
0x137: {  	v2 =	vadd.f32 v3, v2;
	v3 =	vmul.f32 v5, v13;
	v5 =	vld.idx.msk [tilespmem:v9+s26+$0x0], $0xffff;
	v9 =	vor.u32 $0x11, v1  }
0x138: {  	v13 =	vld.idx.msk [tilespmem:v8+s25+$0x0], $0xffff  }
0x139: {  	v2 =	vadd.f32 v3, v2;
	v3 =	vmul.f32 v7, v10;
	v7 =	vld.idx.msk [tilespmem:v8+s26+$0x0], $0xffff;
	v8 =	vor.u32 $0x12, v1  }
0x13a: {  	v10 =	vld.idx.msk [tilespmem:v6+s25+$0x0], $0xffff  }
0x13b: {  	v2 =	vadd.f32 v3, v2;
	v3 =	vmul.f32 v4, v11;
	v4 =	vld.idx.msk [tilespmem:v6+s26+$0x0], $0xffff;
	v6 =	vor.u32 $0x13, v1  }
0x13c: {  	v11 =	vld.idx.msk [tilespmem:v9+s25+$0x0], $0xffff  }
0x13d: {  	v2 =	vadd.f32 v3, v2;
	v3 =	vmul.f32 v5, v12;
	v5 =	vld.idx.msk [tilespmem:v9+s26+$0x0], $0xffff;
	v9 =	vor.u32 $0x14, v1  }
0x13e: {  	v12 =	vld.idx.msk [tilespmem:v8+s25+$0x0], $0xffff  }
0x13f: {  	v2 =	vadd.f32 v3, v2;
	v3 =	vmul.f32 v7, v13;
	v7 =	vld.idx.msk [tilespmem:v8+s26+$0x0], $0xffff;
	v8 =	vor.u32 $0x15, v1  }
0x140: {  	v13 =	vld.idx.msk [tilespmem:v6+s25+$0x0], $0xffff  }
0x141: {  	v2 =	vadd.f32 v3, v2;
	v3 =	vmul.f32 v4, v10;
	v4 =	vld.idx.msk [tilespmem:v6+s26+$0x0], $0xffff;
	v6 =	vor.u32 $0x16, v1  }
0x142: {  	v10 =	vld.idx.msk [tilespmem:v9+s25+$0x0], $0xffff  }
0x143: {  	v2 =	vadd.f32 v3, v2;
	v3 =	vmul.f32 v5, v11;
	v5 =	vld.idx.msk [tilespmem:v9+s26+$0x0], $0xffff;
	v9 =	vor.u32 $0x17, v1  }
0x144: {  	v11 =	vld.idx.msk [tilespmem:v8+s25+$0x0], $0xffff  }
0x145: {  	v2 =	vadd.f32 v3, v2;
	v3 =	vmul.f32 v7, v12;
	v7 =	vld.idx.msk [tilespmem:v8+s26+$0x0], $0xffff;
	v8 =	vor.u32 $0x18, v1  }
0x146: {  	v12 =	vld.idx.msk [tilespmem:v6+s25+$0x0], $0xffff  }
0x147: {  	v2 =	vadd.f32 v3, v2;
	v3 =	vmul.f32 v4, v13;
	v4 =	vld.idx.msk [tilespmem:v6+s26+$0x0], $0xffff;
	v6 =	vor.u32 $0x19, v1  }
0x148: {  	v13 =	vld.idx.msk [tilespmem:v9+s25+$0x0], $0xffff  }
0x149: {  	v2 =	vadd.f32 v3, v2;
	v3 =	vmul.f32 v5, v10;
	v5 =	vld.idx.msk [tilespmem:v9+s26+$0x0], $0xffff;
	v9 =	vor.u32 $0x1A, v1  }
0x14a: {  	v10 =	vld.idx.msk [tilespmem:v8+s25+$0x0], $0xffff  }
0x14b: {  	v2 =	vadd.f32 v3, v2;
	v3 =	vmul.f32 v7, v11;
	v7 =	vld.idx.msk [tilespmem:v8+s26+$0x0], $0xffff;
	v8 =	vor.u32 $0x1B, v1  }
0x14c: {  	v11 =	vld.idx.msk [tilespmem:v6+s25+$0x0], $0xffff  }
0x14d: {  	v2 =	vadd.f32 v3, v2;
	v3 =	vmul.f32 v4, v12;
	v4 =	vld.idx.msk [tilespmem:v6+s26+$0x0], $0xffff;
	v6 =	vor.u32 $0x1C, v1  }
0x14e: {  	v12 =	vld.idx.msk [tilespmem:v9+s25+$0x0], $0xffff  }
0x14f: {  	v2 =	vadd.f32 v3, v2;
	v3 =	vmul.f32 v5, v13;
	v5 =	vld.idx.msk [tilespmem:v9+s26+$0x0], $0xffff;
	v9 =	vor.u32 $0x1D, v1  }
0x150: {  	v13 =	vld.idx.msk [tilespmem:v8+s25+$0x0], $0xffff  }
0x151: {  	v2 =	vadd.f32 v3, v2;
	v3 =	vmul.f32 v7, v10;
	v7 =	vld.idx.msk [tilespmem:v8+s26+$0x0], $0xffff;
	v8 =	vor.u32 $0x1E, v1  }
0x152: {  	v10 =	vld.idx.msk [tilespmem:v6+s25+$0x0], $0xffff  }
0x153: {  	v1 =	vor.u32 $0x1F, v1;
	v2 =	vadd.f32 v3, v2;
	v3 =	vmul.f32 v4, v11;
	v4 =	vld.idx.msk [tilespmem:v6+s26+$0x0], $0xffff  }
0x154: {  	v6 =	vld.idx.msk [tilespmem:v9+s25+$0x0], $0xffff  }
0x155: {  	v2 =	vadd.f32 v3, v2;
	v3 =	vmul.f32 v5, v12;
	v5 =	vld.idx.msk [tilespmem:v9+s26+$0x0], $0xffff  }
0x156: {  	v9 =	vld.idx.msk [tilespmem:v8+s25+$0x0], $0xffff  }
0x157: {  	v2 =	vadd.f32 v3, v2;
	v3 =	vmul.f32 v7, v13;
	v7 =	vld.idx.msk [tilespmem:v8+s26+$0x0], $0xffff  }
0x158: {  	v8 =	vld.idx.msk [tilespmem:v1+s25+$0x0], $0xffff  }
0x159: {  	v2 =	vadd.f32 v3, v2;
	v3 =	vmul.f32 v4, v10;
	v4 =	vld.idx.msk [tilespmem:v1+s26+$0x0], $0xffff;
	_ =	sdelay $0x1  }
0x15a: {  	v1 =	vadd.f32 v3, v2;
	v2 =	vmul.f32 v5, v6  }
.Ltmp0:
0x15b: {  	v3 =	vmov s7;
	(pc) =	sbr.rel @p0 .LBB2_2-.Ltmp0, $4  }
0x15c: {  	v3 =	vshll.u32 v3, $0x5;
	v6 =	vmul.f32 v7, v9;
	v5 =	vadd.f32 v2, v1  }
0x15d: {  	v1 =	vor.u32 v0, v3  }
0x15e: {  	v2 =	vor.u32 $0x1, v1;
	v4 =	vmul.f32 v4, v8;
	v3 =	vadd.f32 v6, v5  }
0x15f: {  	s7 =	sadd.s32 $0x10, s7  }
0x160: {  	v3 =	vadd.f32 v4, v3  }
0x161: {  	s4 =	sadd.s32 $0x10, s4  }
0x162: {  	s7 =	sadd.s32 $0x10, s31;
	[tilespmem:s4+$0x0] =	vst v3  }
0x163: {  	v3 =	vld [tilespmem:s7+$0x0]  }
0x164: {  	v30 =	vor.u32 $0x2, v1;
	v5 =	vld.idx.msk [tilespmem:v1+s25+$0x0], $0xffff  }
0x165: {  	s0 =	sadd.s32 $0x10, s0;
	v6 =	vld.idx.msk [tilespmem:v1+s26+$0x0], $0xffff  }
0x166: {  	v7 =	vor.u32 $0x3, v1;
	v8 =	vld [tilespmem:s0+$0x0]  }
0x167: {  	v9 =	vld.idx.msk [tilespmem:v2+s25+$0x0], $0xffff  }
0x168: {  	v10 =	vor.u32 $0x4, v1;
	v2 =	vld.idx.msk [tilespmem:v2+s26+$0x0], $0xffff  }
0x169: {  	v11 =	vld.idx.msk [tilespmem:v30+s25+$0x0], $0xffff  }
0x16a: {  	v12 =	vor.u32 $0x5, v1;
	v4 =	vld.idx.msk [tilespmem:v30+s26+$0x0], $0xffff  }
0x16b: {  	v13 =	vld.idx.msk [tilespmem:v7+s25+$0x0], $0xffff;
	v3 =	vadd.f32 v3, v8;
	v5 =	vmul.f32 v6, v5  }
0x16c: {  	v32 =	vor.u32 $0x6, v1;
	v31 =	vld.idx.msk [tilespmem:v7+s26+$0x0], $0xffff  }
0x16d: {  	v33 =	vld.idx.msk [tilespmem:v10+s25+$0x0], $0xffff;
	v2 =	vmul.f32 v2, v9;
	v3 =	vadd.f32 v5, v3  }
0x16e: {  	v35 =	vor.u32 $0x7, v1;
	v34 =	vld.idx.msk [tilespmem:v10+s26+$0x0], $0xffff  }
0x16f: {  	v36 =	vld.idx.msk [tilespmem:v12+s25+$0x0], $0xffff;
	v2 =	vadd.f32 v2, v3;
	v3 =	vmul.f32 v4, v11  }
0x170: {  	v38 =	vor.u32 $0x8, v1;
	v37 =	vld.idx.msk [tilespmem:v12+s26+$0x0], $0xffff  }
0x171: {  	v39 =	vld.idx.msk [tilespmem:v32+s25+$0x0], $0xffff;
	v2 =	vadd.f32 v3, v2;
	v3 =	vmul.f32 v31, v13  }
0x172: {  	v41 =	vor.u32 $0x9, v1;
	v40 =	vld.idx.msk [tilespmem:v32+s26+$0x0], $0xffff  }
0x173: {  	v42 =	vld.idx.msk [tilespmem:v35+s25+$0x0], $0xffff;
	v2 =	vadd.f32 v3, v2;
	v3 =	vmul.f32 v34, v33  }
0x174: {  	v44 =	vor.u32 $0xA, v1;
	v43 =	vld.idx.msk [tilespmem:v35+s26+$0x0], $0xffff  }
0x175: {  	v45 =	vld.idx.msk [tilespmem:v38+s25+$0x0], $0xffff;
	v2 =	vadd.f32 v3, v2;
	v3 =	vmul.f32 v37, v36  }
0x176: {  	v47 =	vor.u32 $0xB, v1;
	v46 =	vld.idx.msk [tilespmem:v38+s26+$0x0], $0xffff  }
0x177: {  	v48 =	vld.idx.msk [tilespmem:v41+s25+$0x0], $0xffff;
	v2 =	vadd.f32 v3, v2;
	v3 =	vmul.f32 v40, v39  }
0x178: {  	v50 =	vor.u32 $0xC, v1;
	v49 =	vld.idx.msk [tilespmem:v41+s26+$0x0], $0xffff  }
0x179: {  	v51 =	vld.idx.msk [tilespmem:v44+s25+$0x0], $0xffff;
	v2 =	vadd.f32 v3, v2;
	v3 =	vmul.f32 v43, v42  }
0x17a: {  	v53 =	vor.u32 $0xD, v1;
	v52 =	vld.idx.msk [tilespmem:v44+s26+$0x0], $0xffff  }
0x17b: {  	v54 =	vld.idx.msk [tilespmem:v47+s25+$0x0], $0xffff;
	v2 =	vadd.f32 v3, v2;
	v3 =	vmul.f32 v46, v45  }
0x17c: {  	v56 =	vor.u32 $0xE, v1;
	v55 =	vld.idx.msk [tilespmem:v47+s26+$0x0], $0xffff  }
0x17d: {  	v57 =	vld.idx.msk [tilespmem:v50+s25+$0x0], $0xffff;
	v2 =	vadd.f32 v3, v2;
	v3 =	vmul.f32 v49, v48  }
0x17e: {  	v59 =	vor.u32 $0xF, v1;
	v58 =	vld.idx.msk [tilespmem:v50+s26+$0x0], $0xffff  }
0x17f: {  	v60 =	vld.idx.msk [tilespmem:v53+s25+$0x0], $0xffff;
	v2 =	vadd.f32 v3, v2;
	v3 =	vmul.f32 v52, v51  }
0x180: {  	v62 =	vor.u32 $0x10, v1;
	v61 =	vld.idx.msk [tilespmem:v53+s26+$0x0], $0xffff  }
0x181: {  	v63 =	vld.idx.msk [tilespmem:v56+s25+$0x0], $0xffff;
	v2 =	vadd.f32 v3, v2;
	v3 =	vmul.f32 v55, v54  }
0x182: {  	v17 =	vor.u32 $0x11, v1;
	v16 =	vld.idx.msk [tilespmem:v56+s26+$0x0], $0xffff  }
0x183: {  	v18 =	vld.idx.msk [tilespmem:v59+s25+$0x0], $0xffff;
	v2 =	vadd.f32 v3, v2;
	v3 =	vmul.f32 v58, v57  }
0x184: {  	v20 =	vor.u32 $0x12, v1;
	v19 =	vld.idx.msk [tilespmem:v59+s26+$0x0], $0xffff  }
0x185: {  	v21 =	vld.idx.msk [tilespmem:v62+s25+$0x0], $0xffff;
	v2 =	vadd.f32 v3, v2;
	v3 =	vmul.f32 v61, v60  }
0x186: {  	v23 =	vor.u32 $0x13, v1;
	v22 =	vld.idx.msk [tilespmem:v62+s26+$0x0], $0xffff  }
0x187: {  	v24 =	vld.idx.msk [tilespmem:v17+s25+$0x0], $0xffff;
	v2 =	vadd.f32 v3, v2;
	v3 =	vmul.f32 v16, v63  }
0x188: {  	v26 =	vor.u32 $0x14, v1;
	v25 =	vld.idx.msk [tilespmem:v17+s26+$0x0], $0xffff  }
0x189: {  	v27 =	vld.idx.msk [tilespmem:v20+s25+$0x0], $0xffff;
	v2 =	vadd.f32 v3, v2;
	v3 =	vmul.f32 v19, v18  }
0x18a: {  	v29 =	vor.u32 $0x15, v1;
	v28 =	vld.idx.msk [tilespmem:v20+s26+$0x0], $0xffff  }
0x18b: {  	v30 =	vld.idx.msk [tilespmem:v23+s25+$0x0], $0xffff;
	v2 =	vadd.f32 v3, v2;
	v3 =	vmul.f32 v22, v21  }
0x18c: {  	v32 =	vor.u32 $0x16, v1;
	v31 =	vld.idx.msk [tilespmem:v23+s26+$0x0], $0xffff  }
0x18d: {  	v33 =	vld.idx.msk [tilespmem:v26+s25+$0x0], $0xffff;
	v2 =	vadd.f32 v3, v2;
	v3 =	vmul.f32 v25, v24  }
0x18e: {  	v35 =	vor.u32 $0x17, v1;
	v34 =	vld.idx.msk [tilespmem:v26+s26+$0x0], $0xffff  }
0x18f: {  	v36 =	vld.idx.msk [tilespmem:v29+s25+$0x0], $0xffff;
	v2 =	vadd.f32 v3, v2;
	v3 =	vmul.f32 v28, v27  }
0x190: {  	v38 =	vor.u32 $0x18, v1;
	v37 =	vld.idx.msk [tilespmem:v29+s26+$0x0], $0xffff  }
0x191: {  	v39 =	vld.idx.msk [tilespmem:v32+s25+$0x0], $0xffff;
	v2 =	vadd.f32 v3, v2;
	v3 =	vmul.f32 v31, v30  }
0x192: {  	v41 =	vor.u32 $0x19, v1;
	v40 =	vld.idx.msk [tilespmem:v32+s26+$0x0], $0xffff  }
0x193: {  	v42 =	vld.idx.msk [tilespmem:v35+s25+$0x0], $0xffff;
	v2 =	vadd.f32 v3, v2;
	v3 =	vmul.f32 v34, v33  }
0x194: {  	v44 =	vor.u32 $0x1A, v1;
	v43 =	vld.idx.msk [tilespmem:v35+s26+$0x0], $0xffff  }
0x195: {  	v45 =	vld.idx.msk [tilespmem:v38+s25+$0x0], $0xffff;
	v2 =	vadd.f32 v3, v2;
	v3 =	vmul.f32 v37, v36  }
0x196: {  	v47 =	vor.u32 $0x1B, v1;
	v46 =	vld.idx.msk [tilespmem:v38+s26+$0x0], $0xffff  }
0x197: {  	v48 =	vld.idx.msk [tilespmem:v41+s25+$0x0], $0xffff;
	v2 =	vadd.f32 v3, v2;
	v3 =	vmul.f32 v40, v39  }
0x198: {  	v50 =	vor.u32 $0x1C, v1;
	v49 =	vld.idx.msk [tilespmem:v41+s26+$0x0], $0xffff  }
0x199: {  	v51 =	vld.idx.msk [tilespmem:v44+s25+$0x0], $0xffff;
	v2 =	vadd.f32 v3, v2;
	v3 =	vmul.f32 v43, v42  }
0x19a: {  	v53 =	vor.u32 $0x1D, v1;
	v52 =	vld.idx.msk [tilespmem:v44+s26+$0x0], $0xffff  }
0x19b: {  	v54 =	vld.idx.msk [tilespmem:v47+s25+$0x0], $0xffff;
	v2 =	vadd.f32 v3, v2;
	v3 =	vmul.f32 v46, v45  }
0x19c: {  	v56 =	vor.u32 $0x1E, v1;
	v55 =	vld.idx.msk [tilespmem:v47+s26+$0x0], $0xffff  }
0x19d: {  	v57 =	vld.idx.msk [tilespmem:v50+s25+$0x0], $0xffff;
	v2 =	vadd.f32 v3, v2;
	v3 =	vmul.f32 v49, v48  }
0x19e: {  	v1 =	vor.u32 $0x1F, v1;
	v58 =	vld.idx.msk [tilespmem:v50+s26+$0x0], $0xffff  }
0x19f: {  	v59 =	vld.idx.msk [tilespmem:v53+s25+$0x0], $0xffff;
	v2 =	vadd.f32 v3, v2;
	v3 =	vmul.f32 v52, v51  }
0x1a0: {  	v60 =	vld.idx.msk [tilespmem:v53+s26+$0x0], $0xffff  }
0x1a1: {  	v62 =	vld.idx.msk [tilespmem:v56+s26+$0x0], $0xffff;
	v2 =	vadd.f32 v3, v2;
	v3 =	vmul.f32 v55, v54  }
0x1a2: {  	v61 =	vld.idx.msk [tilespmem:v56+s25+$0x0], $0xffff  }
0x1a3: {  	v63 =	vld.idx.msk [tilespmem:v1+s25+$0x0], $0xffff;
	v2 =	vadd.f32 v3, v2;
	v3 =	vmul.f32 v58, v57  }
0x1a4: {  	v1 =	vld.idx.msk [tilespmem:v1+s26+$0x0], $0xffff  }
0x1a5: {  	v2 =	vadd.f32 v3, v2;
	v3 =	vmul.f32 v60, v59;
	_ =	sdelay $0x1  }
0x1a6: {  	v2 =	vadd.f32 v3, v2;
	v3 =	vmul.f32 v62, v61;
	_ =	sdelay $0x1  }
0x1a7: {  	v1 =	vmul.f32 v1, v63;
	v2 =	vadd.f32 v3, v2;
	_ =	sdelay $0x1  }
0x1a8: {  	s30 =	sadd.s32 $0x1, s30;
	v1 =	vadd.f32 v1, v2  }
0x1a9: {  	s31 =	sadd.s32 $0x10, s4;
	p0 =	sne.s32 s30, s16  }
.Ltmp1:
0x1aa: {  	[tilespmem:s31+$0x0] =	vst v1;
	(pc) =	sbr.rel @p0 .LBB2_1-.Ltmp1, $4  }
0x1ab: {  	[hbm4b:s15+s3] =	stream.linear.scatter [tilespmem:s29], [sflag:$0x2], $0x200, $0x38;
	[tilespmem:$0x8A00] =	vst v63  }
0x1ac: {  	_ =	swait.ge [sflag:s17], $0x200  }
0x1ad: {  	[sflag:s17] =	ssyncset.done $0x0  }
0x1ae: {  	[sflag:s17] =	ssyncadd.s32 $0xFFFFFE00  }
0x1af: {  	_ =	sfence.sel $0x180000  }
0x1b0: {  	[bflag:$0x0] =	sbarrier.arrive $0xFFFF  }
0x1b1: {  	_ =	strace $0x90000047  }
0x1b2: {  	s0 =	stileid.u32;
	[bflag:$0x2] =	sbarrier.arrive $0xFFFF  }
0x1b3: {  	p0 =	sne.s32 s0, $0x0;
	s0 =	rddreg [dreg:$0x6]  }
0x1b4: {  	s0 =	sadd.s32 @!p0 $0x100000, s0  }
0x1b5: {  	[sflag:s0] =	ssyncadd.tile.s32 @!p0 $0x1;
	_ =	shalt  }
.Lfunc_end2:
_tile_overlayer_lowered:
.L_overlay_start_2:
0x1b6: {  	(tag) =	ssettag $0x2  }
0x1b7: {  	s0 =	rddreg [dreg:$0x0];
	s2 =	stileid.u32  }
0x1b8: {  	s1 =	rddreg [dreg:$0x1];
	p0 =	sne.s32 s2, $0x0  }
0x1b9: {  	s3 =	rddreg [dreg:$0x2];
	[bflag:$0x3] =	sbarrier.arrive $0xFFFF;
	s2 =	simm.s32 @!p0 $0x1C02  }
0x1ba: {  	[timem:s3], [sflag:s2] =	dma.local @!p0 [hbm:s0], s1  }
0x1bb: {  	s0 =	simm.s32 @!p0 $0x2  }
0x1bc: {  	_ =	swait.ge @!p0 [sflag:s0], s1  }
0x1bd: {  	s1 =	ssub.s32 @!p0 $0x0, s1;
	[sflag:s0] =	ssyncset.done @!p0 $0x0  }
0x1be: {  	[sflag:s0] =	ssyncadd.s32 @!p0 s1  }
0x1bf: {  	[bflag:$0x3] =	sbarrier.arrive $0xFFFF  }
0x1c0: {  	_ =	shalt  }

</sc_bundles>
